<compile_context>
chip_gen: v7x
topology: tpu7x:2x2x1
jax: 0.10.2.dev20260603
libtpu: 0.0.44.dev20260713+nightly
codegen_flags: <defaults>
</compile_context>

<pallas_src>
import functools

import jax
import jax.numpy as jnp
from jax import lax
from jax.experimental import pallas as pl
from jax.experimental.pallas import tpu as pltpu
from jax.experimental.pallas import tpu_sc as plsc

HIDDEN = 64
FIELD_A = 1000
BATCH = 16384
TABLE_ROWS = 1000000

_NC, _NS, _L = 2, 16, 16
_NW = _NC * _NS
_B_PER_W = BATCH // _NW


def _gather_kernel(idx_a_hbm, idx_b_hbm, table_hbm, out_hbm,
                   idx_av, idx_bv, eidx_v, sem):
    wid = lax.axis_index("s") * _NC + lax.axis_index("c")
    base = wid * _B_PER_W

    pltpu.sync_copy(idx_a_hbm.at[pl.ds(base, _B_PER_W)], idx_av)
    pltpu.sync_copy(idx_b_hbm.at[pl.ds(base, _B_PER_W)], idx_bv)

    for i in range(_B_PER_W // _L):
        s = pl.ds(i * _L, _L)
        eidx_v[s] = idx_av[s] + idx_bv[s] * FIELD_A

    lane = lax.iota(jnp.int32, _L)

    def _fire(g, _):
        vs = eidx_v[pl.ds(g * _L, _L)]
        for l in range(_L):
            e = jnp.max(jnp.where(lane == l, vs, -1))
            pltpu.make_async_copy(
                table_hbm.at[pl.ds(e, 1)],
                out_hbm.at[pl.ds(base + g * _L + l, 1)],
                sem,
            ).start()
        return _

    lax.fori_loop(0, _B_PER_W // _L, _fire, 0)

    def _drain(j, _):
        pltpu.make_async_copy(
            table_hbm.at[pl.ds(0, 1)], out_hbm.at[pl.ds(base, 1)], sem
        ).wait()
        return _

    lax.fori_loop(0, _B_PER_W, _drain, 0)


def kernel(idx_a, idx_b, table):
    mesh = plsc.VectorSubcoreMesh(core_axis_name="c", subcore_axis_name="s")
    k = functools.partial(
        pl.kernel,
        mesh=mesh,
        out_type=jax.ShapeDtypeStruct((BATCH, HIDDEN), jnp.float32),
        scratch_types=[
            pltpu.VMEM((_B_PER_W,), jnp.int32),
            pltpu.VMEM((_B_PER_W,), jnp.int32),
            pltpu.VMEM((_B_PER_W,), jnp.int32),
            pltpu.SemaphoreType.DMA,
        ],
        compiler_params=pltpu.CompilerParams(needs_layout_passes=False),
    )(_gather_kernel)
    return k(idx_a, idx_b, table)

# --- scband reference (transcript-rebuilt; emitter-appended) ---
"""Pipeline reference for scband-cartesian-prod-embedding-27977416966407 (READ-ONLY COPY).

The authoritative reference and input builder live on the scoring server;
editing this copy changes nothing except your own understanding.
"""

import jax, jax.numpy as jnp
import numpy as np

HIDDEN_SIZE = 64
FIELD_A_CLASSES = 1000
FIELD_B_CLASSES = 1000
TOTAL_EMBEDDINGS = FIELD_A_CLASSES * FIELD_B_CLASSES
BATCH = 16384


def setup_inputs(seed: int = 0) -> dict:
    key = jax.random.key(seed)
    k1, k2, k3 = jax.random.split(key, 3)
    idx_a = jax.random.randint(k1, (BATCH,), 0, FIELD_A_CLASSES, dtype=jnp.int64 if jax.config.jax_enable_x64 else jnp.int32).astype(jnp.int32)
    idx_b = jax.random.randint(k2, (BATCH,), 0, FIELD_B_CLASSES, dtype=jnp.int64 if jax.config.jax_enable_x64 else jnp.int32).astype(jnp.int32)
    table = jax.random.normal(k3, (TOTAL_EMBEDDINGS, HIDDEN_SIZE), dtype=jnp.float32)
    return {"idx_a": idx_a, "idx_b": idx_b, "table": table}


def reference(idx_a, idx_b, table):
    # tuple_to_index: result = idx_a * 1 + idx_b * FIELD_A_CLASSES
    embedding_idx = idx_a + idx_b * FIELD_A_CLASSES
    # nn.Embedding lookup -> gather rows from table
    return jnp.take(table, embedding_idx, axis=0)

if __name__ == "__main__":
    import jax
    _d = setup_inputs()
    print(jax.jit(kernel)(*tuple(_d.values())))

</pallas_src>

<mosaic_0001>
#map = affine_map<(d0, d1) -> (0)>
#map1 = affine_map<(d0, d1) -> (0, 0)>
module attributes {stable_mosaic.version = 14 : i64} {
  func.func @_gather_kernel(%arg0: i32, %arg1: i32, %arg2: memref<16384xi32, #tpu.memory_space<hbm>>, %arg3: memref<16384xi32, #tpu.memory_space<hbm>>, %arg4: memref<1000000x64xf32, #tpu.memory_space<hbm>>, %arg5: memref<16384x64xf32, #tpu.memory_space<hbm>>, %arg6: memref<512xi32, #tpu.memory_space<vmem>>, %arg7: memref<512xi32, #tpu.memory_space<vmem>>, %arg8: memref<512xi32, #tpu.memory_space<vmem>>, %arg9: memref<!tpu.dma_semaphore, #tpu.memory_space<semaphore_mem>>) attributes {dimension_semantics = [#tpu.dimension_semantics<core_parallel>, #tpu.dimension_semantics<subcore_parallel>], iteration_bounds = array<i64: 2, 16>, scalar_prefetch = 0 : i64, scratch_operands = 4 : i64, tpu.core_type = #tpu.core_type<sc_vector_subcore>, window_params = [{transform_indices = #map}, {transform_indices = #map}, {transform_indices = #map1}, {transform_indices = #map1}]} {
    %mul3A = arith.constant 2 : i32
    %mul3A_0 = arith.muli %arg1, %mul3A : i32
    %add3A = arith.addi %mul3A_0, %arg0 : i32
    %mul3A_1 = arith.constant 512 : i32
    %mul3A_2 = arith.muli %add3A, %mul3A_1 : i32
    "tpu.region"() ({
      %run_scoped3A = tpu.sem_alloc : memref<!tpu.dma_semaphore, #tpu.memory_space<semaphore_mem>>
      %dma_start3A = tpu.memref_slice %arg2[%mul3A_2] : memref<16384xi32, #tpu.memory_space<hbm>> -> memref<512xi32, #tpu.memory_space<hbm>>
      %dma_start3A_332 = tpu.memref_slice %arg2[%mul3A_2] : memref<16384xi32, #tpu.memory_space<hbm>> -> memref<512xi32, #tpu.memory_space<hbm>>
      tpu.enqueue_dma source(%dma_start3A_332 : memref<512xi32, #tpu.memory_space<hbm>>) target(%arg6 : memref<512xi32, #tpu.memory_space<vmem>>) target_semaphore(%run_scoped3A : memref<!tpu.dma_semaphore, #tpu.memory_space<semaphore_mem>>)
      %dma_wait3A = tpu.memref_slice %arg2[%mul3A_2] : memref<16384xi32, #tpu.memory_space<hbm>> -> memref<512xi32, #tpu.memory_space<hbm>>
      %dma_wait3A_333 = tpu.memref_slice %arg2[%mul3A_2] : memref<16384xi32, #tpu.memory_space<hbm>> -> memref<512xi32, #tpu.memory_space<hbm>>
      tpu.wait_dma2 semaphore(%run_scoped3A : memref<!tpu.dma_semaphore, #tpu.memory_space<semaphore_mem>>) src(%dma_wait3A_333 : memref<512xi32, #tpu.memory_space<hbm>>) dst(%arg6 : memref<512xi32, #tpu.memory_space<vmem>>)
      tpu.yield
    }) : () -> ()
    "tpu.region"() ({
      %run_scoped3A = tpu.sem_alloc : memref<!tpu.dma_semaphore, #tpu.memory_space<semaphore_mem>>
      %dma_start3A = tpu.memref_slice %arg3[%mul3A_2] : memref<16384xi32, #tpu.memory_space<hbm>> -> memref<512xi32, #tpu.memory_space<hbm>>
      %dma_start3A_332 = tpu.memref_slice %arg3[%mul3A_2] : memref<16384xi32, #tpu.memory_space<hbm>> -> memref<512xi32, #tpu.memory_space<hbm>>
      tpu.enqueue_dma source(%dma_start3A_332 : memref<512xi32, #tpu.memory_space<hbm>>) target(%arg7 : memref<512xi32, #tpu.memory_space<vmem>>) target_semaphore(%run_scoped3A : memref<!tpu.dma_semaphore, #tpu.memory_space<semaphore_mem>>)
      %dma_wait3A = tpu.memref_slice %arg3[%mul3A_2] : memref<16384xi32, #tpu.memory_space<hbm>> -> memref<512xi32, #tpu.memory_space<hbm>>
      %dma_wait3A_333 = tpu.memref_slice %arg3[%mul3A_2] : memref<16384xi32, #tpu.memory_space<hbm>> -> memref<512xi32, #tpu.memory_space<hbm>>
      tpu.wait_dma2 semaphore(%run_scoped3A : memref<!tpu.dma_semaphore, #tpu.memory_space<semaphore_mem>>) src(%dma_wait3A_333 : memref<512xi32, #tpu.memory_space<hbm>>) dst(%arg7 : memref<512xi32, #tpu.memory_space<vmem>>)
      tpu.yield
    }) : () -> ()
    %get3A = arith.constant 0 : index
    %get3A_3 = tpu.vector_load %arg6[%get3A] {strides = array<i32>} : memref<512xi32, #tpu.memory_space<vmem>>, vector<16xi32>,
    %get3A_4 = arith.constant 0 : index
    %get3A_5 = tpu.vector_load %arg7[%get3A_4] {strides = array<i32>} : memref<512xi32, #tpu.memory_space<vmem>>, vector<16xi32>,
    %mul3A_6 = arith.constant 1000 : i32
    %mul3A_7 = vector.broadcast %mul3A_6 : i32 to vector<16xi32>
    %mul3A_8 = arith.muli %get3A_5, %mul3A_7 : vector<16xi32>
    %add3A_9 = arith.addi %get3A_3, %mul3A_8 : vector<16xi32>
    %swap3A = arith.constant 0 : index
    %swap3A_10 = tpu.vector_load %arg8[%swap3A] {strides = array<i32>} : memref<512xi32, #tpu.memory_space<vmem>>, vector<16xi32>,
    tpu.vector_store %arg8[%swap3A], %add3A_9 {strides = array<i32>} : memref<512xi32, #tpu.memory_space<vmem>>, vector<16xi32>,
    %get3A_11 = arith.constant 16 : index
    %get3A_12 = tpu.vector_load %arg6[%get3A_11] {strides = array<i32>} : memref<512xi32, #tpu.memory_space<vmem>>, vector<16xi32>,
    %get3A_13 = arith.constant 16 : index
    %get3A_14 = tpu.vector_load %arg7[%get3A_13] {strides = array<i32>} : memref<512xi32, #tpu.memory_space<vmem>>, vector<16xi32>,
    %mul3A_15 = arith.constant 1000 : i32
    %mul3A_16 = vector.broadcast %mul3A_15 : i32 to vector<16xi32>
    %mul3A_17 = arith.muli %get3A_14, %mul3A_16 : vector<16xi32>
    %add3A_18 = arith.addi %get3A_12, %mul3A_17 : vector<16xi32>
    %swap3A_19 = arith.constant 16 : index
    %swap3A_20 = tpu.vector_load %arg8[%swap3A_19] {strides = array<i32>} : memref<512xi32, #tpu.memory_space<vmem>>, vector<16xi32>,
    tpu.vector_store %arg8[%swap3A_19], %add3A_18 {strides = array<i32>} : memref<512xi32, #tpu.memory_space<vmem>>, vector<16xi32>,
    %get3A_21 = arith.constant 32 : index
    %get3A_22 = tpu.vector_load %arg6[%get3A_21] {strides = array<i32>} : memref<512xi32, #tpu.memory_space<vmem>>, vector<16xi32>,
    %get3A_23 = arith.constant 32 : index
    %get3A_24 = tpu.vector_load %arg7[%get3A_23] {strides = array<i32>} : memref<512xi32, #tpu.memory_space<vmem>>, vector<16xi32>,
    %mul3A_25 = arith.constant 1000 : i32
    %mul3A_26 = vector.broadcast %mul3A_25 : i32 to vector<16xi32>
    %mul3A_27 = arith.muli %get3A_24, %mul3A_26 : vector<16xi32>
    %add3A_28 = arith.addi %get3A_22, %mul3A_27 : vector<16xi32>
    %swap3A_29 = arith.constant 32 : index
    %swap3A_30 = tpu.vector_load %arg8[%swap3A_29] {strides = array<i32>} : memref<512xi32, #tpu.memory_space<vmem>>, vector<16xi32>,
    tpu.vector_store %arg8[%swap3A_29], %add3A_28 {strides = array<i32>} : memref<512xi32, #tpu.memory_space<vmem>>, vector<16xi32>,
    %get3A_31 = arith.constant 48 : index
    %get3A_32 = tpu.vector_load %arg6[%get3A_31] {strides = array<i32>} : memref<512xi32, #tpu.memory_space<vmem>>, vector<16xi32>,
    %get3A_33 = arith.constant 48 : index
    %get3A_34 = tpu.vector_load %arg7[%get3A_33] {strides = array<i32>} : memref<512xi32, #tpu.memory_space<vmem>>, vector<16xi32>,
    %mul3A_35 = arith.constant 1000 : i32
    %mul3A_36 = vector.broadcast %mul3A_35 : i32 to vector<16xi32>
    %mul3A_37 = arith.muli %get3A_34, %mul3A_36 : vector<16xi32>
    %add3A_38 = arith.addi %get3A_32, %mul3A_37 : vector<16xi32>
    %swap3A_39 = arith.constant 48 : index
    %swap3A_40 = tpu.vector_load %arg8[%swap3A_39] {strides = array<i32>} : memref<512xi32, #tpu.memory_space<vmem>>, vector<16xi32>,
    tpu.vector_store %arg8[%swap3A_39], %add3A_38 {strides = array<i32>} : memref<512xi32, #tpu.memory_space<vmem>>, vector<16xi32>,
    %get3A_41 = arith.constant 64 : index
    %get3A_42 = tpu.vector_load %arg6[%get3A_41] {strides = array<i32>} : memref<512xi32, #tpu.memory_space<vmem>>, vector<16xi32>,
    %get3A_43 = arith.constant 64 : index
    %get3A_44 = tpu.vector_load %arg7[%get3A_43] {strides = array<i32>} : memref<512xi32, #tpu.memory_space<vmem>>, vector<16xi32>,
    %mul3A_45 = arith.constant 1000 : i32
    %mul3A_46 = vector.broadcast %mul3A_45 : i32 to vector<16xi32>
    %mul3A_47 = arith.muli %get3A_44, %mul3A_46 : vector<16xi32>
    %add3A_48 = arith.addi %get3A_42, %mul3A_47 : vector<16xi32>
    %swap3A_49 = arith.constant 64 : index
    %swap3A_50 = tpu.vector_load %arg8[%swap3A_49] {strides = array<i32>} : memref<512xi32, #tpu.memory_space<vmem>>, vector<16xi32>,
    tpu.vector_store %arg8[%swap3A_49], %add3A_48 {strides = array<i32>} : memref<512xi32, #tpu.memory_space<vmem>>, vector<16xi32>,
    %get3A_51 = arith.constant 80 : index
    %get3A_52 = tpu.vector_load %arg6[%get3A_51] {strides = array<i32>} : memref<512xi32, #tpu.memory_space<vmem>>, vector<16xi32>,
    %get3A_53 = arith.constant 80 : index
    %get3A_54 = tpu.vector_load %arg7[%get3A_53] {strides = array<i32>} : memref<512xi32, #tpu.memory_space<vmem>>, vector<16xi32>,
    %mul3A_55 = arith.constant 1000 : i32
    %mul3A_56 = vector.broadcast %mul3A_55 : i32 to vector<16xi32>
    %mul3A_57 = arith.muli %get3A_54, %mul3A_56 : vector<16xi32>
    %add3A_58 = arith.addi %get3A_52, %mul3A_57 : vector<16xi32>
    %swap3A_59 = arith.constant 80 : index
    %swap3A_60 = tpu.vector_load %arg8[%swap3A_59] {strides = array<i32>} : memref<512xi32, #tpu.memory_space<vmem>>, vector<16xi32>,
    tpu.vector_store %arg8[%swap3A_59], %add3A_58 {strides = array<i32>} : memref<512xi32, #tpu.memory_space<vmem>>, vector<16xi32>,
    %get3A_61 = arith.constant 96 : index
    %get3A_62 = tpu.vector_load %arg6[%get3A_61] {strides = array<i32>} : memref<512xi32, #tpu.memory_space<vmem>>, vector<16xi32>,
    %get3A_63 = arith.constant 96 : index
    %get3A_64 = tpu.vector_load %arg7[%get3A_63] {strides = array<i32>} : memref<512xi32, #tpu.memory_space<vmem>>, vector<16xi32>,
    %mul3A_65 = arith.constant 1000 : i32
    %mul3A_66 = vector.broadcast %mul3A_65 : i32 to vector<16xi32>
    %mul3A_67 = arith.muli %get3A_64, %mul3A_66 : vector<16xi32>
    %add3A_68 = arith.addi %get3A_62, %mul3A_67 : vector<16xi32>
    %swap3A_69 = arith.constant 96 : index
    %swap3A_70 = tpu.vector_load %arg8[%swap3A_69] {strides = array<i32>} : memref<512xi32, #tpu.memory_space<vmem>>, vector<16xi32>,
    tpu.vector_store %arg8[%swap3A_69], %add3A_68 {strides = array<i32>} : memref<512xi32, #tpu.memory_space<vmem>>, vector<16xi32>,
    %get3A_71 = arith.constant 112 : index
    %get3A_72 = tpu.vector_load %arg6[%get3A_71] {strides = array<i32>} : memref<512xi32, #tpu.memory_space<vmem>>, vector<16xi32>,
    %get3A_73 = arith.constant 112 : index
    %get3A_74 = tpu.vector_load %arg7[%get3A_73] {strides = array<i32>} : memref<512xi32, #tpu.memory_space<vmem>>, vector<16xi32>,
    %mul3A_75 = arith.constant 1000 : i32
    %mul3A_76 = vector.broadcast %mul3A_75 : i32 to vector<16xi32>
    %mul3A_77 = arith.muli %get3A_74, %mul3A_76 : vector<16xi32>
    %add3A_78 = arith.addi %get3A_72, %mul3A_77 : vector<16xi32>
    %swap3A_79 = arith.constant 112 : index
    %swap3A_80 = tpu.vector_load %arg8[%swap3A_79] {strides = array<i32>} : memref<512xi32, #tpu.memory_space<vmem>>, vector<16xi32>,
    tpu.vector_store %arg8[%swap3A_79], %add3A_78 {strides = array<i32>} : memref<512xi32, #tpu.memory_space<vmem>>, vector<16xi32>,
    %get3A_81 = arith.constant 128 : index
    %get3A_82 = tpu.vector_load %arg6[%get3A_81] {strides = array<i32>} : memref<512xi32, #tpu.memory_space<vmem>>, vector<16xi32>,
    %get3A_83 = arith.constant 128 : index
    %get3A_84 = tpu.vector_load %arg7[%get3A_83] {strides = array<i32>} : memref<512xi32, #tpu.memory_space<vmem>>, vector<16xi32>,
    %mul3A_85 = arith.constant 1000 : i32
    %mul3A_86 = vector.broadcast %mul3A_85 : i32 to vector<16xi32>
    %mul3A_87 = arith.muli %get3A_84, %mul3A_86 : vector<16xi32>
    %add3A_88 = arith.addi %get3A_82, %mul3A_87 : vector<16xi32>
    %swap3A_89 = arith.constant 128 : index
    %swap3A_90 = tpu.vector_load %arg8[%swap3A_89] {strides = array<i32>} : memref<512xi32, #tpu.memory_space<vmem>>, vector<16xi32>,
    tpu.vector_store %arg8[%swap3A_89], %add3A_88 {strides = array<i32>} : memref<512xi32, #tpu.memory_space<vmem>>, vector<16xi32>,
    %get3A_91 = arith.constant 144 : index
    %get3A_92 = tpu.vector_load %arg6[%get3A_91] {strides = array<i32>} : memref<512xi32, #tpu.memory_space<vmem>>, vector<16xi32>,
    %get3A_93 = arith.constant 144 : index
    %get3A_94 = tpu.vector_load %arg7[%get3A_93] {strides = array<i32>} : memref<512xi32, #tpu.memory_space<vmem>>, vector<16xi32>,
    %mul3A_95 = arith.constant 1000 : i32
    %mul3A_96 = vector.broadcast %mul3A_95 : i32 to vector<16xi32>
    %mul3A_97 = arith.muli %get3A_94, %mul3A_96 : vector<16xi32>
    %add3A_98 = arith.addi %get3A_92, %mul3A_97 : vector<16xi32>
    %swap3A_99 = arith.constant 144 : index
    %swap3A_100 = tpu.vector_load %arg8[%swap3A_99] {strides = array<i32>} : memref<512xi32, #tpu.memory_space<vmem>>, vector<16xi32>,
    tpu.vector_store %arg8[%swap3A_99], %add3A_98 {strides = array<i32>} : memref<512xi32, #tpu.memory_space<vmem>>, vector<16xi32>,
    %get3A_101 = arith.constant 160 : index
    %get3A_102 = tpu.vector_load %arg6[%get3A_101] {strides = array<i32>} : memref<512xi32, #tpu.memory_space<vmem>>, vector<16xi32>,
    %get3A_103 = arith.constant 160 : index
    %get3A_104 = tpu.vector_load %arg7[%get3A_103] {strides = array<i32>} : memref<512xi32, #tpu.memory_space<vmem>>, vector<16xi32>,
    %mul3A_105 = arith.constant 1000 : i32
    %mul3A_106 = vector.broadcast %mul3A_105 : i32 to vector<16xi32>
    %mul3A_107 = arith.muli %get3A_104, %mul3A_106 : vector<16xi32>
    %add3A_108 = arith.addi %get3A_102, %mul3A_107 : vector<16xi32>
    %swap3A_109 = arith.constant 160 : index
    %swap3A_110 = tpu.vector_load %arg8[%swap3A_109] {strides = array<i32>} : memref<512xi32, #tpu.memory_space<vmem>>, vector<16xi32>,
    tpu.vector_store %arg8[%swap3A_109], %add3A_108 {strides = array<i32>} : memref<512xi32, #tpu.memory_space<vmem>>, vector<16xi32>,
    %get3A_111 = arith.constant 176 : index
    %get3A_112 = tpu.vector_load %arg6[%get3A_111] {strides = array<i32>} : memref<512xi32, #tpu.memory_space<vmem>>, vector<16xi32>,
    %get3A_113 = arith.constant 176 : index
    %get3A_114 = tpu.vector_load %arg7[%get3A_113] {strides = array<i32>} : memref<512xi32, #tpu.memory_space<vmem>>, vector<16xi32>,
    %mul3A_115 = arith.constant 1000 : i32
    %mul3A_116 = vector.broadcast %mul3A_115 : i32 to vector<16xi32>
    %mul3A_117 = arith.muli %get3A_114, %mul3A_116 : vector<16xi32>
    %add3A_118 = arith.addi %get3A_112, %mul3A_117 : vector<16xi32>
    %swap3A_119 = arith.constant 176 : index
    %swap3A_120 = tpu.vector_load %arg8[%swap3A_119] {strides = array<i32>} : memref<512xi32, #tpu.memory_space<vmem>>, vector<16xi32>,
    tpu.vector_store %arg8[%swap3A_119], %add3A_118 {strides = array<i32>} : memref<512xi32, #tpu.memory_space<vmem>>, vector<16xi32>,
    %get3A_121 = arith.constant 192 : index
    %get3A_122 = tpu.vector_load %arg6[%get3A_121] {strides = array<i32>} : memref<512xi32, #tpu.memory_space<vmem>>, vector<16xi32>,
    %get3A_123 = arith.constant 192 : index
    %get3A_124 = tpu.vector_load %arg7[%get3A_123] {strides = array<i32>} : memref<512xi32, #tpu.memory_space<vmem>>, vector<16xi32>,
    %mul3A_125 = arith.constant 1000 : i32
    %mul3A_126 = vector.broadcast %mul3A_125 : i32 to vector<16xi32>
    %mul3A_127 = arith.muli %get3A_124, %mul3A_126 : vector<16xi32>
    %add3A_128 = arith.addi %get3A_122, %mul3A_127 : vector<16xi32>
    %swap3A_129 = arith.constant 192 : index
    %swap3A_130 = tpu.vector_load %arg8[%swap3A_129] {strides = array<i32>} : memref<512xi32, #tpu.memory_space<vmem>>, vector<16xi32>,
    tpu.vector_store %arg8[%swap3A_129], %add3A_128 {strides = array<i32>} : memref<512xi32, #tpu.memory_space<vmem>>, vector<16xi32>,
    %get3A_131 = arith.constant 208 : index
    %get3A_132 = tpu.vector_load %arg6[%get3A_131] {strides = array<i32>} : memref<512xi32, #tpu.memory_space<vmem>>, vector<16xi32>,
    %get3A_133 = arith.constant 208 : index
    %get3A_134 = tpu.vector_load %arg7[%get3A_133] {strides = array<i32>} : memref<512xi32, #tpu.memory_space<vmem>>, vector<16xi32>,
    %mul3A_135 = arith.constant 1000 : i32
    %mul3A_136 = vector.broadcast %mul3A_135 : i32 to vector<16xi32>
    %mul3A_137 = arith.muli %get3A_134, %mul3A_136 : vector<16xi32>
    %add3A_138 = arith.addi %get3A_132, %mul3A_137 : vector<16xi32>
    %swap3A_139 = arith.constant 208 : index
    %swap3A_140 = tpu.vector_load %arg8[%swap3A_139] {strides = array<i32>} : memref<512xi32, #tpu.memory_space<vmem>>, vector<16xi32>,
    tpu.vector_store %arg8[%swap3A_139], %add3A_138 {strides = array<i32>} : memref<512xi32, #tpu.memory_space<vmem>>, vector<16xi32>,
    %get3A_141 = arith.constant 224 : index
    %get3A_142 = tpu.vector_load %arg6[%get3A_141] {strides = array<i32>} : memref<512xi32, #tpu.memory_space<vmem>>, vector<16xi32>,
    %get3A_143 = arith.constant 224 : index
    %get3A_144 = tpu.vector_load %arg7[%get3A_143] {strides = array<i32>} : memref<512xi32, #tpu.memory_space<vmem>>, vector<16xi32>,
    %mul3A_145 = arith.constant 1000 : i32
    %mul3A_146 = vector.broadcast %mul3A_145 : i32 to vector<16xi32>
    %mul3A_147 = arith.muli %get3A_144, %mul3A_146 : vector<16xi32>
    %add3A_148 = arith.addi %get3A_142, %mul3A_147 : vector<16xi32>
    %swap3A_149 = arith.constant 224 : index
    %swap3A_150 = tpu.vector_load %arg8[%swap3A_149] {strides = array<i32>} : memref<512xi32, #tpu.memory_space<vmem>>, vector<16xi32>,
    tpu.vector_store %arg8[%swap3A_149], %add3A_148 {strides = array<i32>} : memref<512xi32, #tpu.memory_space<vmem>>, vector<16xi32>,
    %get3A_151 = arith.constant 240 : index
    %get3A_152 = tpu.vector_load %arg6[%get3A_151] {strides = array<i32>} : memref<512xi32, #tpu.memory_space<vmem>>, vector<16xi32>,
    %get3A_153 = arith.constant 240 : index
    %get3A_154 = tpu.vector_load %arg7[%get3A_153] {strides = array<i32>} : memref<512xi32, #tpu.memory_space<vmem>>, vector<16xi32>,
    %mul3A_155 = arith.constant 1000 : i32
    %mul3A_156 = vector.broadcast %mul3A_155 : i32 to vector<16xi32>
    %mul3A_157 = arith.muli %get3A_154, %mul3A_156 : vector<16xi32>
    %add3A_158 = arith.addi %get3A_152, %mul3A_157 : vector<16xi32>
    %swap3A_159 = arith.constant 240 : index
    %swap3A_160 = tpu.vector_load %arg8[%swap3A_159] {strides = array<i32>} : memref<512xi32, #tpu.memory_space<vmem>>, vector<16xi32>,
    tpu.vector_store %arg8[%swap3A_159], %add3A_158 {strides = array<i32>} : memref<512xi32, #tpu.memory_space<vmem>>, vector<16xi32>,
    %get3A_161 = arith.constant 256 : index
    %get3A_162 = tpu.vector_load %arg6[%get3A_161] {strides = array<i32>} : memref<512xi32, #tpu.memory_space<vmem>>, vector<16xi32>,
    %get3A_163 = arith.constant 256 : index
    %get3A_164 = tpu.vector_load %arg7[%get3A_163] {strides = array<i32>} : memref<512xi32, #tpu.memory_space<vmem>>, vector<16xi32>,
    %mul3A_165 = arith.constant 1000 : i32
    %mul3A_166 = vector.broadcast %mul3A_165 : i32 to vector<16xi32>
    %mul3A_167 = arith.muli %get3A_164, %mul3A_166 : vector<16xi32>
    %add3A_168 = arith.addi %get3A_162, %mul3A_167 : vector<16xi32>
    %swap3A_169 = arith.constant 256 : index
    %swap3A_170 = tpu.vector_load %arg8[%swap3A_169] {strides = array<i32>} : memref<512xi32, #tpu.memory_space<vmem>>, vector<16xi32>,
    tpu.vector_store %arg8[%swap3A_169], %add3A_168 {strides = array<i32>} : memref<512xi32, #tpu.memory_space<vmem>>, vector<16xi32>,
    %get3A_171 = arith.constant 272 : index
    %get3A_172 = tpu.vector_load %arg6[%get3A_171] {strides = array<i32>} : memref<512xi32, #tpu.memory_space<vmem>>, vector<16xi32>,
    %get3A_173 = arith.constant 272 : index
    %get3A_174 = tpu.vector_load %arg7[%get3A_173] {strides = array<i32>} : memref<512xi32, #tpu.memory_space<vmem>>, vector<16xi32>,
    %mul3A_175 = arith.constant 1000 : i32
    %mul3A_176 = vector.broadcast %mul3A_175 : i32 to vector<16xi32>
    %mul3A_177 = arith.muli %get3A_174, %mul3A_176 : vector<16xi32>
    %add3A_178 = arith.addi %get3A_172, %mul3A_177 : vector<16xi32>
    %swap3A_179 = arith.constant 272 : index
    %swap3A_180 = tpu.vector_load %arg8[%swap3A_179] {strides = array<i32>} : memref<512xi32, #tpu.memory_space<vmem>>, vector<16xi32>,
    tpu.vector_store %arg8[%swap3A_179], %add3A_178 {strides = array<i32>} : memref<512xi32, #tpu.memory_space<vmem>>, vector<16xi32>,
    %get3A_181 = arith.constant 288 : index
    %get3A_182 = tpu.vector_load %arg6[%get3A_181] {strides = array<i32>} : memref<512xi32, #tpu.memory_space<vmem>>, vector<16xi32>,
    %get3A_183 = arith.constant 288 : index
    %get3A_184 = tpu.vector_load %arg7[%get3A_183] {strides = array<i32>} : memref<512xi32, #tpu.memory_space<vmem>>, vector<16xi32>,
    %mul3A_185 = arith.constant 1000 : i32
    %mul3A_186 = vector.broadcast %mul3A_185 : i32 to vector<16xi32>
    %mul3A_187 = arith.muli %get3A_184, %mul3A_186 : vector<16xi32>
    %add3A_188 = arith.addi %get3A_182, %mul3A_187 : vector<16xi32>
    %swap3A_189 = arith.constant 288 : index
    %swap3A_190 = tpu.vector_load %arg8[%swap3A_189] {strides = array<i32>} : memref<512xi32, #tpu.memory_space<vmem>>, vector<16xi32>,
    tpu.vector_store %arg8[%swap3A_189], %add3A_188 {strides = array<i32>} : memref<512xi32, #tpu.memory_space<vmem>>, vector<16xi32>,
    %get3A_191 = arith.constant 304 : index
    %get3A_192 = tpu.vector_load %arg6[%get3A_191] {strides = array<i32>} : memref<512xi32, #tpu.memory_space<vmem>>, vector<16xi32>,
    %get3A_193 = arith.constant 304 : index
    %get3A_194 = tpu.vector_load %arg7[%get3A_193] {strides = array<i32>} : memref<512xi32, #tpu.memory_space<vmem>>, vector<16xi32>,
    %mul3A_195 = arith.constant 1000 : i32
    %mul3A_196 = vector.broadcast %mul3A_195 : i32 to vector<16xi32>
    %mul3A_197 = arith.muli %get3A_194, %mul3A_196 : vector<16xi32>
    %add3A_198 = arith.addi %get3A_192, %mul3A_197 : vector<16xi32>
    %swap3A_199 = arith.constant 304 : index
    %swap3A_200 = tpu.vector_load %arg8[%swap3A_199] {strides = array<i32>} : memref<512xi32, #tpu.memory_space<vmem>>, vector<16xi32>,
    tpu.vector_store %arg8[%swap3A_199], %add3A_198 {strides = array<i32>} : memref<512xi32, #tpu.memory_space<vmem>>, vector<16xi32>,
    %get3A_201 = arith.constant 320 : index
    %get3A_202 = tpu.vector_load %arg6[%get3A_201] {strides = array<i32>} : memref<512xi32, #tpu.memory_space<vmem>>, vector<16xi32>,
    %get3A_203 = arith.constant 320 : index
    %get3A_204 = tpu.vector_load %arg7[%get3A_203] {strides = array<i32>} : memref<512xi32, #tpu.memory_space<vmem>>, vector<16xi32>,
    %mul3A_205 = arith.constant 1000 : i32
    %mul3A_206 = vector.broadcast %mul3A_205 : i32 to vector<16xi32>
    %mul3A_207 = arith.muli %get3A_204, %mul3A_206 : vector<16xi32>
    %add3A_208 = arith.addi %get3A_202, %mul3A_207 : vector<16xi32>
    %swap3A_209 = arith.constant 320 : index
    %swap3A_210 = tpu.vector_load %arg8[%swap3A_209] {strides = array<i32>} : memref<512xi32, #tpu.memory_space<vmem>>, vector<16xi32>,
    tpu.vector_store %arg8[%swap3A_209], %add3A_208 {strides = array<i32>} : memref<512xi32, #tpu.memory_space<vmem>>, vector<16xi32>,
    %get3A_211 = arith.constant 336 : index
    %get3A_212 = tpu.vector_load %arg6[%get3A_211] {strides = array<i32>} : memref<512xi32, #tpu.memory_space<vmem>>, vector<16xi32>,
    %get3A_213 = arith.constant 336 : index
    %get3A_214 = tpu.vector_load %arg7[%get3A_213] {strides = array<i32>} : memref<512xi32, #tpu.memory_space<vmem>>, vector<16xi32>,
    %mul3A_215 = arith.constant 1000 : i32
    %mul3A_216 = vector.broadcast %mul3A_215 : i32 to vector<16xi32>
    %mul3A_217 = arith.muli %get3A_214, %mul3A_216 : vector<16xi32>
    %add3A_218 = arith.addi %get3A_212, %mul3A_217 : vector<16xi32>
    %swap3A_219 = arith.constant 336 : index
    %swap3A_220 = tpu.vector_load %arg8[%swap3A_219] {strides = array<i32>} : memref<512xi32, #tpu.memory_space<vmem>>, vector<16xi32>,
    tpu.vector_store %arg8[%swap3A_219], %add3A_218 {strides = array<i32>} : memref<512xi32, #tpu.memory_space<vmem>>, vector<16xi32>,
    %get3A_221 = arith.constant 352 : index
    %get3A_222 = tpu.vector_load %arg6[%get3A_221] {strides = array<i32>} : memref<512xi32, #tpu.memory_space<vmem>>, vector<16xi32>,
    %get3A_223 = arith.constant 352 : index
    %get3A_224 = tpu.vector_load %arg7[%get3A_223] {strides = array<i32>} : memref<512xi32, #tpu.memory_space<vmem>>, vector<16xi32>,
    %mul3A_225 = arith.constant 1000 : i32
    %mul3A_226 = vector.broadcast %mul3A_225 : i32 to vector<16xi32>
    %mul3A_227 = arith.muli %get3A_224, %mul3A_226 : vector<16xi32>
    %add3A_228 = arith.addi %get3A_222, %mul3A_227 : vector<16xi32>
    %swap3A_229 = arith.constant 352 : index
    %swap3A_230 = tpu.vector_load %arg8[%swap3A_229] {strides = array<i32>} : memref<512xi32, #tpu.memory_space<vmem>>, vector<16xi32>,
    tpu.vector_store %arg8[%swap3A_229], %add3A_228 {strides = array<i32>} : memref<512xi32, #tpu.memory_space<vmem>>, vector<16xi32>,
    %get3A_231 = arith.constant 368 : index
    %get3A_232 = tpu.vector_load %arg6[%get3A_231] {strides = array<i32>} : memref<512xi32, #tpu.memory_space<vmem>>, vector<16xi32>,
    %get3A_233 = arith.constant 368 : index
    %get3A_234 = tpu.vector_load %arg7[%get3A_233] {strides = array<i32>} : memref<512xi32, #tpu.memory_space<vmem>>, vector<16xi32>,
    %mul3A_235 = arith.constant 1000 : i32
    %mul3A_236 = vector.broadcast %mul3A_235 : i32 to vector<16xi32>
    %mul3A_237 = arith.muli %get3A_234, %mul3A_236 : vector<16xi32>
    %add3A_238 = arith.addi %get3A_232, %mul3A_237 : vector<16xi32>
    %swap3A_239 = arith.constant 368 : index
    %swap3A_240 = tpu.vector_load %arg8[%swap3A_239] {strides = array<i32>} : memref<512xi32, #tpu.memory_space<vmem>>, vector<16xi32>,
    tpu.vector_store %arg8[%swap3A_239], %add3A_238 {strides = array<i32>} : memref<512xi32, #tpu.memory_space<vmem>>, vector<16xi32>,
    %get3A_241 = arith.constant 384 : index
    %get3A_242 = tpu.vector_load %arg6[%get3A_241] {strides = array<i32>} : memref<512xi32, #tpu.memory_space<vmem>>, vector<16xi32>,
    %get3A_243 = arith.constant 384 : index
    %get3A_244 = tpu.vector_load %arg7[%get3A_243] {strides = array<i32>} : memref<512xi32, #tpu.memory_space<vmem>>, vector<16xi32>,
    %mul3A_245 = arith.constant 1000 : i32
    %mul3A_246 = vector.broadcast %mul3A_245 : i32 to vector<16xi32>
    %mul3A_247 = arith.muli %get3A_244, %mul3A_246 : vector<16xi32>
    %add3A_248 = arith.addi %get3A_242, %mul3A_247 : vector<16xi32>
    %swap3A_249 = arith.constant 384 : index
    %swap3A_250 = tpu.vector_load %arg8[%swap3A_249] {strides = array<i32>} : memref<512xi32, #tpu.memory_space<vmem>>, vector<16xi32>,
    tpu.vector_store %arg8[%swap3A_249], %add3A_248 {strides = array<i32>} : memref<512xi32, #tpu.memory_space<vmem>>, vector<16xi32>,
    %get3A_251 = arith.constant 400 : index
    %get3A_252 = tpu.vector_load %arg6[%get3A_251] {strides = array<i32>} : memref<512xi32, #tpu.memory_space<vmem>>, vector<16xi32>,
    %get3A_253 = arith.constant 400 : index
    %get3A_254 = tpu.vector_load %arg7[%get3A_253] {strides = array<i32>} : memref<512xi32, #tpu.memory_space<vmem>>, vector<16xi32>,
    %mul3A_255 = arith.constant 1000 : i32
    %mul3A_256 = vector.broadcast %mul3A_255 : i32 to vector<16xi32>
    %mul3A_257 = arith.muli %get3A_254, %mul3A_256 : vector<16xi32>
    %add3A_258 = arith.addi %get3A_252, %mul3A_257 : vector<16xi32>
    %swap3A_259 = arith.constant 400 : index
    %swap3A_260 = tpu.vector_load %arg8[%swap3A_259] {strides = array<i32>} : memref<512xi32, #tpu.memory_space<vmem>>, vector<16xi32>,
    tpu.vector_store %arg8[%swap3A_259], %add3A_258 {strides = array<i32>} : memref<512xi32, #tpu.memory_space<vmem>>, vector<16xi32>,
    %get3A_261 = arith.constant 416 : index
    %get3A_262 = tpu.vector_load %arg6[%get3A_261] {strides = array<i32>} : memref<512xi32, #tpu.memory_space<vmem>>, vector<16xi32>,
    %get3A_263 = arith.constant 416 : index
    %get3A_264 = tpu.vector_load %arg7[%get3A_263] {strides = array<i32>} : memref<512xi32, #tpu.memory_space<vmem>>, vector<16xi32>,
    %mul3A_265 = arith.constant 1000 : i32
    %mul3A_266 = vector.broadcast %mul3A_265 : i32 to vector<16xi32>
    %mul3A_267 = arith.muli %get3A_264, %mul3A_266 : vector<16xi32>
    %add3A_268 = arith.addi %get3A_262, %mul3A_267 : vector<16xi32>
    %swap3A_269 = arith.constant 416 : index
    %swap3A_270 = tpu.vector_load %arg8[%swap3A_269] {strides = array<i32>} : memref<512xi32, #tpu.memory_space<vmem>>, vector<16xi32>,
    tpu.vector_store %arg8[%swap3A_269], %add3A_268 {strides = array<i32>} : memref<512xi32, #tpu.memory_space<vmem>>, vector<16xi32>,
    %get3A_271 = arith.constant 432 : index
    %get3A_272 = tpu.vector_load %arg6[%get3A_271] {strides = array<i32>} : memref<512xi32, #tpu.memory_space<vmem>>, vector<16xi32>,
    %get3A_273 = arith.constant 432 : index
    %get3A_274 = tpu.vector_load %arg7[%get3A_273] {strides = array<i32>} : memref<512xi32, #tpu.memory_space<vmem>>, vector<16xi32>,
    %mul3A_275 = arith.constant 1000 : i32
    %mul3A_276 = vector.broadcast %mul3A_275 : i32 to vector<16xi32>
    %mul3A_277 = arith.muli %get3A_274, %mul3A_276 : vector<16xi32>
    %add3A_278 = arith.addi %get3A_272, %mul3A_277 : vector<16xi32>
    %swap3A_279 = arith.constant 432 : index
    %swap3A_280 = tpu.vector_load %arg8[%swap3A_279] {strides = array<i32>} : memref<512xi32, #tpu.memory_space<vmem>>, vector<16xi32>,
    tpu.vector_store %arg8[%swap3A_279], %add3A_278 {strides = array<i32>} : memref<512xi32, #tpu.memory_space<vmem>>, vector<16xi32>,
    %get3A_281 = arith.constant 448 : index
    %get3A_282 = tpu.vector_load %arg6[%get3A_281] {strides = array<i32>} : memref<512xi32, #tpu.memory_space<vmem>>, vector<16xi32>,
    %get3A_283 = arith.constant 448 : index
    %get3A_284 = tpu.vector_load %arg7[%get3A_283] {strides = array<i32>} : memref<512xi32, #tpu.memory_space<vmem>>, vector<16xi32>,
    %mul3A_285 = arith.constant 1000 : i32
    %mul3A_286 = vector.broadcast %mul3A_285 : i32 to vector<16xi32>
    %mul3A_287 = arith.muli %get3A_284, %mul3A_286 : vector<16xi32>
    %add3A_288 = arith.addi %get3A_282, %mul3A_287 : vector<16xi32>
    %swap3A_289 = arith.constant 448 : index
    %swap3A_290 = tpu.vector_load %arg8[%swap3A_289] {strides = array<i32>} : memref<512xi32, #tpu.memory_space<vmem>>, vector<16xi32>,
    tpu.vector_store %arg8[%swap3A_289], %add3A_288 {strides = array<i32>} : memref<512xi32, #tpu.memory_space<vmem>>, vector<16xi32>,
    %get3A_291 = arith.constant 464 : index
    %get3A_292 = tpu.vector_load %arg6[%get3A_291] {strides = array<i32>} : memref<512xi32, #tpu.memory_space<vmem>>, vector<16xi32>,
    %get3A_293 = arith.constant 464 : index
    %get3A_294 = tpu.vector_load %arg7[%get3A_293] {strides = array<i32>} : memref<512xi32, #tpu.memory_space<vmem>>, vector<16xi32>,
    %mul3A_295 = arith.constant 1000 : i32
    %mul3A_296 = vector.broadcast %mul3A_295 : i32 to vector<16xi32>
    %mul3A_297 = arith.muli %get3A_294, %mul3A_296 : vector<16xi32>
    %add3A_298 = arith.addi %get3A_292, %mul3A_297 : vector<16xi32>
    %swap3A_299 = arith.constant 464 : index
    %swap3A_300 = tpu.vector_load %arg8[%swap3A_299] {strides = array<i32>} : memref<512xi32, #tpu.memory_space<vmem>>, vector<16xi32>,
    tpu.vector_store %arg8[%swap3A_299], %add3A_298 {strides = array<i32>} : memref<512xi32, #tpu.memory_space<vmem>>, vector<16xi32>,
    %get3A_301 = arith.constant 480 : index
    %get3A_302 = tpu.vector_load %arg6[%get3A_301] {strides = array<i32>} : memref<512xi32, #tpu.memory_space<vmem>>, vector<16xi32>,
    %get3A_303 = arith.constant 480 : index
    %get3A_304 = tpu.vector_load %arg7[%get3A_303] {strides = array<i32>} : memref<512xi32, #tpu.memory_space<vmem>>, vector<16xi32>,
    %mul3A_305 = arith.constant 1000 : i32
    %mul3A_306 = vector.broadcast %mul3A_305 : i32 to vector<16xi32>
    %mul3A_307 = arith.muli %get3A_304, %mul3A_306 : vector<16xi32>
    %add3A_308 = arith.addi %get3A_302, %mul3A_307 : vector<16xi32>
    %swap3A_309 = arith.constant 480 : index
    %swap3A_310 = tpu.vector_load %arg8[%swap3A_309] {strides = array<i32>} : memref<512xi32, #tpu.memory_space<vmem>>, vector<16xi32>,
    tpu.vector_store %arg8[%swap3A_309], %add3A_308 {strides = array<i32>} : memref<512xi32, #tpu.memory_space<vmem>>, vector<16xi32>,
    %get3A_311 = arith.constant 496 : index
    %get3A_312 = tpu.vector_load %arg6[%get3A_311] {strides = array<i32>} : memref<512xi32, #tpu.memory_space<vmem>>, vector<16xi32>,
    %get3A_313 = arith.constant 496 : index
    %get3A_314 = tpu.vector_load %arg7[%get3A_313] {strides = array<i32>} : memref<512xi32, #tpu.memory_space<vmem>>, vector<16xi32>,
    %mul3A_315 = arith.constant 1000 : i32
    %mul3A_316 = vector.broadcast %mul3A_315 : i32 to vector<16xi32>
    %mul3A_317 = arith.muli %get3A_314, %mul3A_316 : vector<16xi32>
    %add3A_318 = arith.addi %get3A_312, %mul3A_317 : vector<16xi32>
    %swap3A_319 = arith.constant 496 : index
    %swap3A_320 = tpu.vector_load %arg8[%swap3A_319] {strides = array<i32>} : memref<512xi32, #tpu.memory_space<vmem>>, vector<16xi32>,
    tpu.vector_store %arg8[%swap3A_319], %add3A_318 {strides = array<i32>} : memref<512xi32, #tpu.memory_space<vmem>>, vector<16xi32>,
    %iota3A = tpu.iota {dimensions = array<i32: 0>} : vector<16xi32>
    %scan3A = arith.constant 0 : i32
    %scan3A_321 = arith.constant 0 : i32
    %scan3A_322 = arith.constant 32 : i32
    %scan3A_323 = arith.addi %scan3A_321, %scan3A_322 : i32
    %scan3A_324 = arith.constant 1 : i32
    scf.for %scan3A_332 = %scan3A_321 to %scan3A_323 step %scan3A_324  : i32 {
      %mul3A_333 = arith.constant 16 : i32
      %mul3A_334 = arith.muli %scan3A_332, %mul3A_333 : i32
      %get3A_335 = arith.index_cast %mul3A_334 : i32 to index
      %get3A_336 = tpu.vector_load %arg8[%get3A_335] {strides = array<i32>} : memref<512xi32, #tpu.memory_space<vmem>>, vector<16xi32>,
      %eq3A = arith.constant 0 : i32
      %eq3A_337 = vector.broadcast %eq3A : i32 to vector<16xi32>
      %eq3A_338 = arith.cmpi eq, %iota3A, %eq3A_337 : vector<16xi32>
      %jit3A = arith.constant -1 : i32
      %broadcast_in_dim3A = vector.broadcast %jit3A : i32 to vector<16xi32>
      %select_n3A = arith.select %eq3A_338, %get3A_336, %broadcast_in_dim3A : vector<16xi1>, vector<16xi32>
      %reduce_max3A = arith.constant true
      %reduce_max3A_339 = vector.broadcast %reduce_max3A : i1 to vector<16xi1>
      %reduce_max3A_340 = arith.constant -2147483648 : i32
      %reduce_max3A_341 = vector.broadcast %reduce_max3A_340 : i32 to vector<16xi32>
      %reduce_max3A_342 = arith.xori %select_n3A, %reduce_max3A_341 : vector<16xi32>
      %reduce_max3A_343 = tpu.scan <max>, %reduce_max3A_342 masked %reduce_max3A_339 : vector<16xi32>, vector<16xi1> -> vector<16xi32>
      %reduce_max3A_344 = arith.xori %reduce_max3A_343, %reduce_max3A_341 : vector<16xi32>
      %reduce_max3A_345 = vector.extract %reduce_max3A_344[15] : i32 from vector<16xi32>
      %mul3A_346 = arith.constant 16 : i32
      %mul3A_347 = arith.muli %scan3A_332, %mul3A_346 : i32
      %add3A_348 = arith.addi %mul3A_2, %mul3A_347 : i32
      %add3A_349 = arith.constant 0 : i32
      %add3A_350 = arith.addi %add3A_348, %add3A_349 : i32
      %dma_start3A = arith.constant 0 : i32
      %dma_start3A_351 = tpu.memref_slice %arg5[%add3A_350, %dma_start3A] : memref<16384x64xf32, #tpu.memory_space<hbm>> -> memref<1x64xf32, #tpu.memory_space<hbm>>
      %dma_start3A_352 = arith.constant 0 : i32
      %dma_start3A_353 = tpu.memref_slice %arg4[%reduce_max3A_345, %dma_start3A_352] : memref<1000000x64xf32, #tpu.memory_space<hbm>> -> memref<1x64xf32, #tpu.memory_space<hbm>>
      tpu.enqueue_dma source(%dma_start3A_353 : memref<1x64xf32, #tpu.memory_space<hbm>>) target(%dma_start3A_351 : memref<1x64xf32, #tpu.memory_space<hbm>>) target_semaphore(%arg9 : memref<!tpu.dma_semaphore, #tpu.memory_space<semaphore_mem>>)
      %eq3A_354 = arith.constant 1 : i32
      %eq3A_355 = vector.broadcast %eq3A_354 : i32 to vector<16xi32>
      %eq3A_356 = arith.cmpi eq, %iota3A, %eq3A_355 : vector<16xi32>
      %jit3A_357 = arith.constant -1 : i32
      %broadcast_in_dim3A_358 = vector.broadcast %jit3A_357 : i32 to vector<16xi32>
      %select_n3A_359 = arith.select %eq3A_356, %get3A_336, %broadcast_in_dim3A_358 : vector<16xi1>, vector<16xi32>
      %reduce_max3A_360 = arith.constant true
      %reduce_max3A_361 = vector.broadcast %reduce_max3A_360 : i1 to vector<16xi1>
      %reduce_max3A_362 = arith.constant -2147483648 : i32
      %reduce_max3A_363 = vector.broadcast %reduce_max3A_362 : i32 to vector<16xi32>
      %reduce_max3A_364 = arith.xori %select_n3A_359, %reduce_max3A_363 : vector<16xi32>
      %reduce_max3A_365 = tpu.scan <max>, %reduce_max3A_364 masked %reduce_max3A_361 : vector<16xi32>, vector<16xi1> -> vector<16xi32>
      %reduce_max3A_366 = arith.xori %reduce_max3A_365, %reduce_max3A_363 : vector<16xi32>
      %reduce_max3A_367 = vector.extract %reduce_max3A_366[15] : i32 from vector<16xi32>
      %mul3A_368 = arith.constant 16 : i32
      %mul3A_369 = arith.muli %scan3A_332, %mul3A_368 : i32
      %add3A_370 = arith.addi %mul3A_2, %mul3A_369 : i32
      %add3A_371 = arith.constant 1 : i32
      %add3A_372 = arith.addi %add3A_370, %add3A_371 : i32
      %dma_start3A_373 = arith.constant 0 : i32
      %dma_start3A_374 = tpu.memref_slice %arg5[%add3A_372, %dma_start3A_373] : memref<16384x64xf32, #tpu.memory_space<hbm>> -> memref<1x64xf32, #tpu.memory_space<hbm>>
      %dma_start3A_375 = arith.constant 0 : i32
      %dma_start3A_376 = tpu.memref_slice %arg4[%reduce_max3A_367, %dma_start3A_375] : memref<1000000x64xf32, #tpu.memory_space<hbm>> -> memref<1x64xf32, #tpu.memory_space<hbm>>
      tpu.enqueue_dma source(%dma_start3A_376 : memref<1x64xf32, #tpu.memory_space<hbm>>) target(%dma_start3A_374 : memref<1x64xf32, #tpu.memory_space<hbm>>) target_semaphore(%arg9 : memref<!tpu.dma_semaphore, #tpu.memory_space<semaphore_mem>>)
      %eq3A_377 = arith.constant 2 : i32
      %eq3A_378 = vector.broadcast %eq3A_377 : i32 to vector<16xi32>
      %eq3A_379 = arith.cmpi eq, %iota3A, %eq3A_378 : vector<16xi32>
      %jit3A_380 = arith.constant -1 : i32
      %broadcast_in_dim3A_381 = vector.broadcast %jit3A_380 : i32 to vector<16xi32>
      %select_n3A_382 = arith.select %eq3A_379, %get3A_336, %broadcast_in_dim3A_381 : vector<16xi1>, vector<16xi32>
      %reduce_max3A_383 = arith.constant true
      %reduce_max3A_384 = vector.broadcast %reduce_max3A_383 : i1 to vector<16xi1>
      %reduce_max3A_385 = arith.constant -2147483648 : i32
      %reduce_max3A_386 = vector.broadcast %reduce_max3A_385 : i32 to vector<16xi32>
      %reduce_max3A_387 = arith.xori %select_n3A_382, %reduce_max3A_386 : vector<16xi32>
      %reduce_max3A_388 = tpu.scan <max>, %reduce_max3A_387 masked %reduce_max3A_384 : vector<16xi32>, vector<16xi1> -> vector<16xi32>
      %reduce_max3A_389 = arith.xori %reduce_max3A_388, %reduce_max3A_386 : vector<16xi32>
      %reduce_max3A_390 = vector.extract %reduce_max3A_389[15] : i32 from vector<16xi32>
      %mul3A_391 = arith.constant 16 : i32
      %mul3A_392 = arith.muli %scan3A_332, %mul3A_391 : i32
      %add3A_393 = arith.addi %mul3A_2, %mul3A_392 : i32
      %add3A_394 = arith.constant 2 : i32
      %add3A_395 = arith.addi %add3A_393, %add3A_394 : i32
      %dma_start3A_396 = arith.constant 0 : i32
      %dma_start3A_397 = tpu.memref_slice %arg5[%add3A_395, %dma_start3A_396] : memref<16384x64xf32, #tpu.memory_space<hbm>> -> memref<1x64xf32, #tpu.memory_space<hbm>>
      %dma_start3A_398 = arith.constant 0 : i32
      %dma_start3A_399 = tpu.memref_slice %arg4[%reduce_max3A_390, %dma_start3A_398] : memref<1000000x64xf32, #tpu.memory_space<hbm>> -> memref<1x64xf32, #tpu.memory_space<hbm>>
      tpu.enqueue_dma source(%dma_start3A_399 : memref<1x64xf32, #tpu.memory_space<hbm>>) target(%dma_start3A_397 : memref<1x64xf32, #tpu.memory_space<hbm>>) target_semaphore(%arg9 : memref<!tpu.dma_semaphore, #tpu.memory_space<semaphore_mem>>)
      %eq3A_400 = arith.constant 3 : i32
      %eq3A_401 = vector.broadcast %eq3A_400 : i32 to vector<16xi32>
      %eq3A_402 = arith.cmpi eq, %iota3A, %eq3A_401 : vector<16xi32>
      %jit3A_403 = arith.constant -1 : i32
      %broadcast_in_dim3A_404 = vector.broadcast %jit3A_403 : i32 to vector<16xi32>
      %select_n3A_405 = arith.select %eq3A_402, %get3A_336, %broadcast_in_dim3A_404 : vector<16xi1>, vector<16xi32>
      %reduce_max3A_406 = arith.constant true
      %reduce_max3A_407 = vector.broadcast %reduce_max3A_406 : i1 to vector<16xi1>
      %reduce_max3A_408 = arith.constant -2147483648 : i32
      %reduce_max3A_409 = vector.broadcast %reduce_max3A_408 : i32 to vector<16xi32>
      %reduce_max3A_410 = arith.xori %select_n3A_405, %reduce_max3A_409 : vector<16xi32>
      %reduce_max3A_411 = tpu.scan <max>, %reduce_max3A_410 masked %reduce_max3A_407 : vector<16xi32>, vector<16xi1> -> vector<16xi32>
      %reduce_max3A_412 = arith.xori %reduce_max3A_411, %reduce_max3A_409 : vector<16xi32>
      %reduce_max3A_413 = vector.extract %reduce_max3A_412[15] : i32 from vector<16xi32>
      %mul3A_414 = arith.constant 16 : i32
      %mul3A_415 = arith.muli %scan3A_332, %mul3A_414 : i32
      %add3A_416 = arith.addi %mul3A_2, %mul3A_415 : i32
      %add3A_417 = arith.constant 3 : i32
      %add3A_418 = arith.addi %add3A_416, %add3A_417 : i32
      %dma_start3A_419 = arith.constant 0 : i32
      %dma_start3A_420 = tpu.memref_slice %arg5[%add3A_418, %dma_start3A_419] : memref<16384x64xf32, #tpu.memory_space<hbm>> -> memref<1x64xf32, #tpu.memory_space<hbm>>
      %dma_start3A_421 = arith.constant 0 : i32
      %dma_start3A_422 = tpu.memref_slice %arg4[%reduce_max3A_413, %dma_start3A_421] : memref<1000000x64xf32, #tpu.memory_space<hbm>> -> memref<1x64xf32, #tpu.memory_space<hbm>>
      tpu.enqueue_dma source(%dma_start3A_422 : memref<1x64xf32, #tpu.memory_space<hbm>>) target(%dma_start3A_420 : memref<1x64xf32, #tpu.memory_space<hbm>>) target_semaphore(%arg9 : memref<!tpu.dma_semaphore, #tpu.memory_space<semaphore_mem>>)
      %eq3A_423 = arith.constant 4 : i32
      %eq3A_424 = vector.broadcast %eq3A_423 : i32 to vector<16xi32>
      %eq3A_425 = arith.cmpi eq, %iota3A, %eq3A_424 : vector<16xi32>
      %jit3A_426 = arith.constant -1 : i32
      %broadcast_in_dim3A_427 = vector.broadcast %jit3A_426 : i32 to vector<16xi32>
      %select_n3A_428 = arith.select %eq3A_425, %get3A_336, %broadcast_in_dim3A_427 : vector<16xi1>, vector<16xi32>
      %reduce_max3A_429 = arith.constant true
      %reduce_max3A_430 = vector.broadcast %reduce_max3A_429 : i1 to vector<16xi1>
      %reduce_max3A_431 = arith.constant -2147483648 : i32
      %reduce_max3A_432 = vector.broadcast %reduce_max3A_431 : i32 to vector<16xi32>
      %reduce_max3A_433 = arith.xori %select_n3A_428, %reduce_max3A_432 : vector<16xi32>
      %reduce_max3A_434 = tpu.scan <max>, %reduce_max3A_433 masked %reduce_max3A_430 : vector<16xi32>, vector<16xi1> -> vector<16xi32>
      %reduce_max3A_435 = arith.xori %reduce_max3A_434, %reduce_max3A_432 : vector<16xi32>
      %reduce_max3A_436 = vector.extract %reduce_max3A_435[15] : i32 from vector<16xi32>
      %mul3A_437 = arith.constant 16 : i32
      %mul3A_438 = arith.muli %scan3A_332, %mul3A_437 : i32
      %add3A_439 = arith.addi %mul3A_2, %mul3A_438 : i32
      %add3A_440 = arith.constant 4 : i32
      %add3A_441 = arith.addi %add3A_439, %add3A_440 : i32
      %dma_start3A_442 = arith.constant 0 : i32
      %dma_start3A_443 = tpu.memref_slice %arg5[%add3A_441, %dma_start3A_442] : memref<16384x64xf32, #tpu.memory_space<hbm>> -> memref<1x64xf32, #tpu.memory_space<hbm>>
      %dma_start3A_444 = arith.constant 0 : i32
      %dma_start3A_445 = tpu.memref_slice %arg4[%reduce_max3A_436, %dma_start3A_444] : memref<1000000x64xf32, #tpu.memory_space<hbm>> -> memref<1x64xf32, #tpu.memory_space<hbm>>
      tpu.enqueue_dma source(%dma_start3A_445 : memref<1x64xf32, #tpu.memory_space<hbm>>) target(%dma_start3A_443 : memref<1x64xf32, #tpu.memory_space<hbm>>) target_semaphore(%arg9 : memref<!tpu.dma_semaphore, #tpu.memory_space<semaphore_mem>>)
      %eq3A_446 = arith.constant 5 : i32
      %eq3A_447 = vector.broadcast %eq3A_446 : i32 to vector<16xi32>
      %eq3A_448 = arith.cmpi eq, %iota3A, %eq3A_447 : vector<16xi32>
      %jit3A_449 = arith.constant -1 : i32
      %broadcast_in_dim3A_450 = vector.broadcast %jit3A_449 : i32 to vector<16xi32>
      %select_n3A_451 = arith.select %eq3A_448, %get3A_336, %broadcast_in_dim3A_450 : vector<16xi1>, vector<16xi32>
      %reduce_max3A_452 = arith.constant true
      %reduce_max3A_453 = vector.broadcast %reduce_max3A_452 : i1 to vector<16xi1>
      %reduce_max3A_454 = arith.constant -2147483648 : i32
      %reduce_max3A_455 = vector.broadcast %reduce_max3A_454 : i32 to vector<16xi32>
      %reduce_max3A_456 = arith.xori %select_n3A_451, %reduce_max3A_455 : vector<16xi32>
      %reduce_max3A_457 = tpu.scan <max>, %reduce_max3A_456 masked %reduce_max3A_453 : vector<16xi32>, vector<16xi1> -> vector<16xi32>
      %reduce_max3A_458 = arith.xori %reduce_max3A_457, %reduce_max3A_455 : vector<16xi32>
      %reduce_max3A_459 = vector.extract %reduce_max3A_458[15] : i32 from vector<16xi32>
      %mul3A_460 = arith.constant 16 : i32
      %mul3A_461 = arith.muli %scan3A_332, %mul3A_460 : i32
      %add3A_462 = arith.addi %mul3A_2, %mul3A_461 : i32
      %add3A_463 = arith.constant 5 : i32
      %add3A_464 = arith.addi %add3A_462, %add3A_463 : i32
      %dma_start3A_465 = arith.constant 0 : i32
      %dma_start3A_466 = tpu.memref_slice %arg5[%add3A_464, %dma_start3A_465] : memref<16384x64xf32, #tpu.memory_space<hbm>> -> memref<1x64xf32, #tpu.memory_space<hbm>>
      %dma_start3A_467 = arith.constant 0 : i32
      %dma_start3A_468 = tpu.memref_slice %arg4[%reduce_max3A_459, %dma_start3A_467] : memref<1000000x64xf32, #tpu.memory_space<hbm>> -> memref<1x64xf32, #tpu.memory_space<hbm>>
      tpu.enqueue_dma source(%dma_start3A_468 : memref<1x64xf32, #tpu.memory_space<hbm>>) target(%dma_start3A_466 : memref<1x64xf32, #tpu.memory_space<hbm>>) target_semaphore(%arg9 : memref<!tpu.dma_semaphore, #tpu.memory_space<semaphore_mem>>)
      %eq3A_469 = arith.constant 6 : i32
      %eq3A_470 = vector.broadcast %eq3A_469 : i32 to vector<16xi32>
      %eq3A_471 = arith.cmpi eq, %iota3A, %eq3A_470 : vector<16xi32>
      %jit3A_472 = arith.constant -1 : i32
      %broadcast_in_dim3A_473 = vector.broadcast %jit3A_472 : i32 to vector<16xi32>
      %select_n3A_474 = arith.select %eq3A_471, %get3A_336, %broadcast_in_dim3A_473 : vector<16xi1>, vector<16xi32>
      %reduce_max3A_475 = arith.constant true
      %reduce_max3A_476 = vector.broadcast %reduce_max3A_475 : i1 to vector<16xi1>
      %reduce_max3A_477 = arith.constant -2147483648 : i32
      %reduce_max3A_478 = vector.broadcast %reduce_max3A_477 : i32 to vector<16xi32>
      %reduce_max3A_479 = arith.xori %select_n3A_474, %reduce_max3A_478 : vector<16xi32>
      %reduce_max3A_480 = tpu.scan <max>, %reduce_max3A_479 masked %reduce_max3A_476 : vector<16xi32>, vector<16xi1> -> vector<16xi32>
      %reduce_max3A_481 = arith.xori %reduce_max3A_480, %reduce_max3A_478 : vector<16xi32>
      %reduce_max3A_482 = vector.extract %reduce_max3A_481[15] : i32 from vector<16xi32>
      %mul3A_483 = arith.constant 16 : i32
      %mul3A_484 = arith.muli %scan3A_332, %mul3A_483 : i32
      %add3A_485 = arith.addi %mul3A_2, %mul3A_484 : i32
      %add3A_486 = arith.constant 6 : i32
      %add3A_487 = arith.addi %add3A_485, %add3A_486 : i32
      %dma_start3A_488 = arith.constant 0 : i32
      %dma_start3A_489 = tpu.memref_slice %arg5[%add3A_487, %dma_start3A_488] : memref<16384x64xf32, #tpu.memory_space<hbm>> -> memref<1x64xf32, #tpu.memory_space<hbm>>
      %dma_start3A_490 = arith.constant 0 : i32
      %dma_start3A_491 = tpu.memref_slice %arg4[%reduce_max3A_482, %dma_start3A_490] : memref<1000000x64xf32, #tpu.memory_space<hbm>> -> memref<1x64xf32, #tpu.memory_space<hbm>>
      tpu.enqueue_dma source(%dma_start3A_491 : memref<1x64xf32, #tpu.memory_space<hbm>>) target(%dma_start3A_489 : memref<1x64xf32, #tpu.memory_space<hbm>>) target_semaphore(%arg9 : memref<!tpu.dma_semaphore, #tpu.memory_space<semaphore_mem>>)
      %eq3A_492 = arith.constant 7 : i32
      %eq3A_493 = vector.broadcast %eq3A_492 : i32 to vector<16xi32>
      %eq3A_494 = arith.cmpi eq, %iota3A, %eq3A_493 : vector<16xi32>
      %jit3A_495 = arith.constant -1 : i32
      %broadcast_in_dim3A_496 = vector.broadcast %jit3A_495 : i32 to vector<16xi32>
      %select_n3A_497 = arith.select %eq3A_494, %get3A_336, %broadcast_in_dim3A_496 : vector<16xi1>, vector<16xi32>
      %reduce_max3A_498 = arith.constant true
      %reduce_max3A_499 = vector.broadcast %reduce_max3A_498 : i1 to vector<16xi1>
      %reduce_max3A_500 = arith.constant -2147483648 : i32
      %reduce_max3A_501 = vector.broadcast %reduce_max3A_500 : i32 to vector<16xi32>
      %reduce_max3A_502 = arith.xori %select_n3A_497, %reduce_max3A_501 : vector<16xi32>
      %reduce_max3A_503 = tpu.scan <max>, %reduce_max3A_502 masked %reduce_max3A_499 : vector<16xi32>, vector<16xi1> -> vector<16xi32>
      %reduce_max3A_504 = arith.xori %reduce_max3A_503, %reduce_max3A_501 : vector<16xi32>
      %reduce_max3A_505 = vector.extract %reduce_max3A_504[15] : i32 from vector<16xi32>
      %mul3A_506 = arith.constant 16 : i32
      %mul3A_507 = arith.muli %scan3A_332, %mul3A_506 : i32
      %add3A_508 = arith.addi %mul3A_2, %mul3A_507 : i32
      %add3A_509 = arith.constant 7 : i32
      %add3A_510 = arith.addi %add3A_508, %add3A_509 : i32
      %dma_start3A_511 = arith.constant 0 : i32
      %dma_start3A_512 = tpu.memref_slice %arg5[%add3A_510, %dma_start3A_511] : memref<16384x64xf32, #tpu.memory_space<hbm>> -> memref<1x64xf32, #tpu.memory_space<hbm>>
      %dma_start3A_513 = arith.constant 0 : i32
      %dma_start3A_514 = tpu.memref_slice %arg4[%reduce_max3A_505, %dma_start3A_513] : memref<1000000x64xf32, #tpu.memory_space<hbm>> -> memref<1x64xf32, #tpu.memory_space<hbm>>
      tpu.enqueue_dma source(%dma_start3A_514 : memref<1x64xf32, #tpu.memory_space<hbm>>) target(%dma_start3A_512 : memref<1x64xf32, #tpu.memory_space<hbm>>) target_semaphore(%arg9 : memref<!tpu.dma_semaphore, #tpu.memory_space<semaphore_mem>>)
      %eq3A_515 = arith.constant 8 : i32
      %eq3A_516 = vector.broadcast %eq3A_515 : i32 to vector<16xi32>
      %eq3A_517 = arith.cmpi eq, %iota3A, %eq3A_516 : vector<16xi32>
      %jit3A_518 = arith.constant -1 : i32
      %broadcast_in_dim3A_519 = vector.broadcast %jit3A_518 : i32 to vector<16xi32>
      %select_n3A_520 = arith.select %eq3A_517, %get3A_336, %broadcast_in_dim3A_519 : vector<16xi1>, vector<16xi32>
      %reduce_max3A_521 = arith.constant true
      %reduce_max3A_522 = vector.broadcast %reduce_max3A_521 : i1 to vector<16xi1>
      %reduce_max3A_523 = arith.constant -2147483648 : i32
      %reduce_max3A_524 = vector.broadcast %reduce_max3A_523 : i32 to vector<16xi32>
      %reduce_max3A_525 = arith.xori %select_n3A_520, %reduce_max3A_524 : vector<16xi32>
      %reduce_max3A_526 = tpu.scan <max>, %reduce_max3A_525 masked %reduce_max3A_522 : vector<16xi32>, vector<16xi1> -> vector<16xi32>
      %reduce_max3A_527 = arith.xori %reduce_max3A_526, %reduce_max3A_524 : vector<16xi32>
      %reduce_max3A_528 = vector.extract %reduce_max3A_527[15] : i32 from vector<16xi32>
      %mul3A_529 = arith.constant 16 : i32
      %mul3A_530 = arith.muli %scan3A_332, %mul3A_529 : i32
      %add3A_531 = arith.addi %mul3A_2, %mul3A_530 : i32
      %add3A_532 = arith.constant 8 : i32
      %add3A_533 = arith.addi %add3A_531, %add3A_532 : i32
      %dma_start3A_534 = arith.constant 0 : i32
      %dma_start3A_535 = tpu.memref_slice %arg5[%add3A_533, %dma_start3A_534] : memref<16384x64xf32, #tpu.memory_space<hbm>> -> memref<1x64xf32, #tpu.memory_space<hbm>>
      %dma_start3A_536 = arith.constant 0 : i32
      %dma_start3A_537 = tpu.memref_slice %arg4[%reduce_max3A_528, %dma_start3A_536] : memref<1000000x64xf32, #tpu.memory_space<hbm>> -> memref<1x64xf32, #tpu.memory_space<hbm>>
      tpu.enqueue_dma source(%dma_start3A_537 : memref<1x64xf32, #tpu.memory_space<hbm>>) target(%dma_start3A_535 : memref<1x64xf32, #tpu.memory_space<hbm>>) target_semaphore(%arg9 : memref<!tpu.dma_semaphore, #tpu.memory_space<semaphore_mem>>)
      %eq3A_538 = arith.constant 9 : i32
      %eq3A_539 = vector.broadcast %eq3A_538 : i32 to vector<16xi32>
      %eq3A_540 = arith.cmpi eq, %iota3A, %eq3A_539 : vector<16xi32>
      %jit3A_541 = arith.constant -1 : i32
      %broadcast_in_dim3A_542 = vector.broadcast %jit3A_541 : i32 to vector<16xi32>
      %select_n3A_543 = arith.select %eq3A_540, %get3A_336, %broadcast_in_dim3A_542 : vector<16xi1>, vector<16xi32>
      %reduce_max3A_544 = arith.constant true
      %reduce_max3A_545 = vector.broadcast %reduce_max3A_544 : i1 to vector<16xi1>
      %reduce_max3A_546 = arith.constant -2147483648 : i32
      %reduce_max3A_547 = vector.broadcast %reduce_max3A_546 : i32 to vector<16xi32>
      %reduce_max3A_548 = arith.xori %select_n3A_543, %reduce_max3A_547 : vector<16xi32>
      %reduce_max3A_549 = tpu.scan <max>, %reduce_max3A_548 masked %reduce_max3A_545 : vector<16xi32>, vector<16xi1> -> vector<16xi32>
      %reduce_max3A_550 = arith.xori %reduce_max3A_549, %reduce_max3A_547 : vector<16xi32>
      %reduce_max3A_551 = vector.extract %reduce_max3A_550[15] : i32 from vector<16xi32>
      %mul3A_552 = arith.constant 16 : i32
      %mul3A_553 = arith.muli %scan3A_332, %mul3A_552 : i32
      %add3A_554 = arith.addi %mul3A_2, %mul3A_553 : i32
      %add3A_555 = arith.constant 9 : i32
      %add3A_556 = arith.addi %add3A_554, %add3A_555 : i32
      %dma_start3A_557 = arith.constant 0 : i32
      %dma_start3A_558 = tpu.memref_slice %arg5[%add3A_556, %dma_start3A_557] : memref<16384x64xf32, #tpu.memory_space<hbm>> -> memref<1x64xf32, #tpu.memory_space<hbm>>
      %dma_start3A_559 = arith.constant 0 : i32
      %dma_start3A_560 = tpu.memref_slice %arg4[%reduce_max3A_551, %dma_start3A_559] : memref<1000000x64xf32, #tpu.memory_space<hbm>> -> memref<1x64xf32, #tpu.memory_space<hbm>>
      tpu.enqueue_dma source(%dma_start3A_560 : memref<1x64xf32, #tpu.memory_space<hbm>>) target(%dma_start3A_558 : memref<1x64xf32, #tpu.memory_space<hbm>>) target_semaphore(%arg9 : memref<!tpu.dma_semaphore, #tpu.memory_space<semaphore_mem>>)
      %eq3A_561 = arith.constant 10 : i32
      %eq3A_562 = vector.broadcast %eq3A_561 : i32 to vector<16xi32>
      %eq3A_563 = arith.cmpi eq, %iota3A, %eq3A_562 : vector<16xi32>
      %jit3A_564 = arith.constant -1 : i32
      %broadcast_in_dim3A_565 = vector.broadcast %jit3A_564 : i32 to vector<16xi32>
      %select_n3A_566 = arith.select %eq3A_563, %get3A_336, %broadcast_in_dim3A_565 : vector<16xi1>, vector<16xi32>
      %reduce_max3A_567 = arith.constant true
      %reduce_max3A_568 = vector.broadcast %reduce_max3A_567 : i1 to vector<16xi1>
      %reduce_max3A_569 = arith.constant -2147483648 : i32
      %reduce_max3A_570 = vector.broadcast %reduce_max3A_569 : i32 to vector<16xi32>
      %reduce_max3A_571 = arith.xori %select_n3A_566, %reduce_max3A_570 : vector<16xi32>
      %reduce_max3A_572 = tpu.scan <max>, %reduce_max3A_571 masked %reduce_max3A_568 : vector<16xi32>, vector<16xi1> -> vector<16xi32>
      %reduce_max3A_573 = arith.xori %reduce_max3A_572, %reduce_max3A_570 : vector<16xi32>
      %reduce_max3A_574 = vector.extract %reduce_max3A_573[15] : i32 from vector<16xi32>
      %mul3A_575 = arith.constant 16 : i32
      %mul3A_576 = arith.muli %scan3A_332, %mul3A_575 : i32
      %add3A_577 = arith.addi %mul3A_2, %mul3A_576 : i32
      %add3A_578 = arith.constant 10 : i32
      %add3A_579 = arith.addi %add3A_577, %add3A_578 : i32
      %dma_start3A_580 = arith.constant 0 : i32
      %dma_start3A_581 = tpu.memref_slice %arg5[%add3A_579, %dma_start3A_580] : memref<16384x64xf32, #tpu.memory_space<hbm>> -> memref<1x64xf32, #tpu.memory_space<hbm>>
      %dma_start3A_582 = arith.constant 0 : i32
      %dma_start3A_583 = tpu.memref_slice %arg4[%reduce_max3A_574, %dma_start3A_582] : memref<1000000x64xf32, #tpu.memory_space<hbm>> -> memref<1x64xf32, #tpu.memory_space<hbm>>
      tpu.enqueue_dma source(%dma_start3A_583 : memref<1x64xf32, #tpu.memory_space<hbm>>) target(%dma_start3A_581 : memref<1x64xf32, #tpu.memory_space<hbm>>) target_semaphore(%arg9 : memref<!tpu.dma_semaphore, #tpu.memory_space<semaphore_mem>>)
      %eq3A_584 = arith.constant 11 : i32
      %eq3A_585 = vector.broadcast %eq3A_584 : i32 to vector<16xi32>
      %eq3A_586 = arith.cmpi eq, %iota3A, %eq3A_585 : vector<16xi32>
      %jit3A_587 = arith.constant -1 : i32
      %broadcast_in_dim3A_588 = vector.broadcast %jit3A_587 : i32 to vector<16xi32>
      %select_n3A_589 = arith.select %eq3A_586, %get3A_336, %broadcast_in_dim3A_588 : vector<16xi1>, vector<16xi32>
      %reduce_max3A_590 = arith.constant true
      %reduce_max3A_591 = vector.broadcast %reduce_max3A_590 : i1 to vector<16xi1>
      %reduce_max3A_592 = arith.constant -2147483648 : i32
      %reduce_max3A_593 = vector.broadcast %reduce_max3A_592 : i32 to vector<16xi32>
      %reduce_max3A_594 = arith.xori %select_n3A_589, %reduce_max3A_593 : vector<16xi32>
      %reduce_max3A_595 = tpu.scan <max>, %reduce_max3A_594 masked %reduce_max3A_591 : vector<16xi32>, vector<16xi1> -> vector<16xi32>
      %reduce_max3A_596 = arith.xori %reduce_max3A_595, %reduce_max3A_593 : vector<16xi32>
      %reduce_max3A_597 = vector.extract %reduce_max3A_596[15] : i32 from vector<16xi32>
      %mul3A_598 = arith.constant 16 : i32
      %mul3A_599 = arith.muli %scan3A_332, %mul3A_598 : i32
      %add3A_600 = arith.addi %mul3A_2, %mul3A_599 : i32
      %add3A_601 = arith.constant 11 : i32
      %add3A_602 = arith.addi %add3A_600, %add3A_601 : i32
      %dma_start3A_603 = arith.constant 0 : i32
      %dma_start3A_604 = tpu.memref_slice %arg5[%add3A_602, %dma_start3A_603] : memref<16384x64xf32, #tpu.memory_space<hbm>> -> memref<1x64xf32, #tpu.memory_space<hbm>>
      %dma_start3A_605 = arith.constant 0 : i32
      %dma_start3A_606 = tpu.memref_slice %arg4[%reduce_max3A_597, %dma_start3A_605] : memref<1000000x64xf32, #tpu.memory_space<hbm>> -> memref<1x64xf32, #tpu.memory_space<hbm>>
      tpu.enqueue_dma source(%dma_start3A_606 : memref<1x64xf32, #tpu.memory_space<hbm>>) target(%dma_start3A_604 : memref<1x64xf32, #tpu.memory_space<hbm>>) target_semaphore(%arg9 : memref<!tpu.dma_semaphore, #tpu.memory_space<semaphore_mem>>)
      %eq3A_607 = arith.constant 12 : i32
      %eq3A_608 = vector.broadcast %eq3A_607 : i32 to vector<16xi32>
      %eq3A_609 = arith.cmpi eq, %iota3A, %eq3A_608 : vector<16xi32>
      %jit3A_610 = arith.constant -1 : i32
      %broadcast_in_dim3A_611 = vector.broadcast %jit3A_610 : i32 to vector<16xi32>
      %select_n3A_612 = arith.select %eq3A_609, %get3A_336, %broadcast_in_dim3A_611 : vector<16xi1>, vector<16xi32>
      %reduce_max3A_613 = arith.constant true
      %reduce_max3A_614 = vector.broadcast %reduce_max3A_613 : i1 to vector<16xi1>
      %reduce_max3A_615 = arith.constant -2147483648 : i32
      %reduce_max3A_616 = vector.broadcast %reduce_max3A_615 : i32 to vector<16xi32>
      %reduce_max3A_617 = arith.xori %select_n3A_612, %reduce_max3A_616 : vector<16xi32>
      %reduce_max3A_618 = tpu.scan <max>, %reduce_max3A_617 masked %reduce_max3A_614 : vector<16xi32>, vector<16xi1> -> vector<16xi32>
      %reduce_max3A_619 = arith.xori %reduce_max3A_618, %reduce_max3A_616 : vector<16xi32>
      %reduce_max3A_620 = vector.extract %reduce_max3A_619[15] : i32 from vector<16xi32>
      %mul3A_621 = arith.constant 16 : i32
      %mul3A_622 = arith.muli %scan3A_332, %mul3A_621 : i32
      %add3A_623 = arith.addi %mul3A_2, %mul3A_622 : i32
      %add3A_624 = arith.constant 12 : i32
      %add3A_625 = arith.addi %add3A_623, %add3A_624 : i32
      %dma_start3A_626 = arith.constant 0 : i32
      %dma_start3A_627 = tpu.memref_slice %arg5[%add3A_625, %dma_start3A_626] : memref<16384x64xf32, #tpu.memory_space<hbm>> -> memref<1x64xf32, #tpu.memory_space<hbm>>
      %dma_start3A_628 = arith.constant 0 : i32
      %dma_start3A_629 = tpu.memref_slice %arg4[%reduce_max3A_620, %dma_start3A_628] : memref<1000000x64xf32, #tpu.memory_space<hbm>> -> memref<1x64xf32, #tpu.memory_space<hbm>>
      tpu.enqueue_dma source(%dma_start3A_629 : memref<1x64xf32, #tpu.memory_space<hbm>>) target(%dma_start3A_627 : memref<1x64xf32, #tpu.memory_space<hbm>>) target_semaphore(%arg9 : memref<!tpu.dma_semaphore, #tpu.memory_space<semaphore_mem>>)
      %eq3A_630 = arith.constant 13 : i32
      %eq3A_631 = vector.broadcast %eq3A_630 : i32 to vector<16xi32>
      %eq3A_632 = arith.cmpi eq, %iota3A, %eq3A_631 : vector<16xi32>
      %jit3A_633 = arith.constant -1 : i32
      %broadcast_in_dim3A_634 = vector.broadcast %jit3A_633 : i32 to vector<16xi32>
      %select_n3A_635 = arith.select %eq3A_632, %get3A_336, %broadcast_in_dim3A_634 : vector<16xi1>, vector<16xi32>
      %reduce_max3A_636 = arith.constant true
      %reduce_max3A_637 = vector.broadcast %reduce_max3A_636 : i1 to vector<16xi1>
      %reduce_max3A_638 = arith.constant -2147483648 : i32
      %reduce_max3A_639 = vector.broadcast %reduce_max3A_638 : i32 to vector<16xi32>
      %reduce_max3A_640 = arith.xori %select_n3A_635, %reduce_max3A_639 : vector<16xi32>
      %reduce_max3A_641 = tpu.scan <max>, %reduce_max3A_640 masked %reduce_max3A_637 : vector<16xi32>, vector<16xi1> -> vector<16xi32>
      %reduce_max3A_642 = arith.xori %reduce_max3A_641, %reduce_max3A_639 : vector<16xi32>
      %reduce_max3A_643 = vector.extract %reduce_max3A_642[15] : i32 from vector<16xi32>
      %mul3A_644 = arith.constant 16 : i32
      %mul3A_645 = arith.muli %scan3A_332, %mul3A_644 : i32
      %add3A_646 = arith.addi %mul3A_2, %mul3A_645 : i32
      %add3A_647 = arith.constant 13 : i32
      %add3A_648 = arith.addi %add3A_646, %add3A_647 : i32
      %dma_start3A_649 = arith.constant 0 : i32
      %dma_start3A_650 = tpu.memref_slice %arg5[%add3A_648, %dma_start3A_649] : memref<16384x64xf32, #tpu.memory_space<hbm>> -> memref<1x64xf32, #tpu.memory_space<hbm>>
      %dma_start3A_651 = arith.constant 0 : i32
      %dma_start3A_652 = tpu.memref_slice %arg4[%reduce_max3A_643, %dma_start3A_651] : memref<1000000x64xf32, #tpu.memory_space<hbm>> -> memref<1x64xf32, #tpu.memory_space<hbm>>
      tpu.enqueue_dma source(%dma_start3A_652 : memref<1x64xf32, #tpu.memory_space<hbm>>) target(%dma_start3A_650 : memref<1x64xf32, #tpu.memory_space<hbm>>) target_semaphore(%arg9 : memref<!tpu.dma_semaphore, #tpu.memory_space<semaphore_mem>>)
      %eq3A_653 = arith.constant 14 : i32
      %eq3A_654 = vector.broadcast %eq3A_653 : i32 to vector<16xi32>
      %eq3A_655 = arith.cmpi eq, %iota3A, %eq3A_654 : vector<16xi32>
      %jit3A_656 = arith.constant -1 : i32
      %broadcast_in_dim3A_657 = vector.broadcast %jit3A_656 : i32 to vector<16xi32>
      %select_n3A_658 = arith.select %eq3A_655, %get3A_336, %broadcast_in_dim3A_657 : vector<16xi1>, vector<16xi32>
      %reduce_max3A_659 = arith.constant true
      %reduce_max3A_660 = vector.broadcast %reduce_max3A_659 : i1 to vector<16xi1>
      %reduce_max3A_661 = arith.constant -2147483648 : i32
      %reduce_max3A_662 = vector.broadcast %reduce_max3A_661 : i32 to vector<16xi32>
      %reduce_max3A_663 = arith.xori %select_n3A_658, %reduce_max3A_662 : vector<16xi32>
      %reduce_max3A_664 = tpu.scan <max>, %reduce_max3A_663 masked %reduce_max3A_660 : vector<16xi32>, vector<16xi1> -> vector<16xi32>
      %reduce_max3A_665 = arith.xori %reduce_max3A_664, %reduce_max3A_662 : vector<16xi32>
      %reduce_max3A_666 = vector.extract %reduce_max3A_665[15] : i32 from vector<16xi32>
      %mul3A_667 = arith.constant 16 : i32
      %mul3A_668 = arith.muli %scan3A_332, %mul3A_667 : i32
      %add3A_669 = arith.addi %mul3A_2, %mul3A_668 : i32
      %add3A_670 = arith.constant 14 : i32
      %add3A_671 = arith.addi %add3A_669, %add3A_670 : i32
      %dma_start3A_672 = arith.constant 0 : i32
      %dma_start3A_673 = tpu.memref_slice %arg5[%add3A_671, %dma_start3A_672] : memref<16384x64xf32, #tpu.memory_space<hbm>> -> memref<1x64xf32, #tpu.memory_space<hbm>>
      %dma_start3A_674 = arith.constant 0 : i32
      %dma_start3A_675 = tpu.memref_slice %arg4[%reduce_max3A_666, %dma_start3A_674] : memref<1000000x64xf32, #tpu.memory_space<hbm>> -> memref<1x64xf32, #tpu.memory_space<hbm>>
      tpu.enqueue_dma source(%dma_start3A_675 : memref<1x64xf32, #tpu.memory_space<hbm>>) target(%dma_start3A_673 : memref<1x64xf32, #tpu.memory_space<hbm>>) target_semaphore(%arg9 : memref<!tpu.dma_semaphore, #tpu.memory_space<semaphore_mem>>)
      %eq3A_676 = arith.constant 15 : i32
      %eq3A_677 = vector.broadcast %eq3A_676 : i32 to vector<16xi32>
      %eq3A_678 = arith.cmpi eq, %iota3A, %eq3A_677 : vector<16xi32>
      %jit3A_679 = arith.constant -1 : i32
      %broadcast_in_dim3A_680 = vector.broadcast %jit3A_679 : i32 to vector<16xi32>
      %select_n3A_681 = arith.select %eq3A_678, %get3A_336, %broadcast_in_dim3A_680 : vector<16xi1>, vector<16xi32>
      %reduce_max3A_682 = arith.constant true
      %reduce_max3A_683 = vector.broadcast %reduce_max3A_682 : i1 to vector<16xi1>
      %reduce_max3A_684 = arith.constant -2147483648 : i32
      %reduce_max3A_685 = vector.broadcast %reduce_max3A_684 : i32 to vector<16xi32>
      %reduce_max3A_686 = arith.xori %select_n3A_681, %reduce_max3A_685 : vector<16xi32>
      %reduce_max3A_687 = tpu.scan <max>, %reduce_max3A_686 masked %reduce_max3A_683 : vector<16xi32>, vector<16xi1> -> vector<16xi32>
      %reduce_max3A_688 = arith.xori %reduce_max3A_687, %reduce_max3A_685 : vector<16xi32>
      %reduce_max3A_689 = vector.extract %reduce_max3A_688[15] : i32 from vector<16xi32>
      %mul3A_690 = arith.constant 16 : i32
      %mul3A_691 = arith.muli %scan3A_332, %mul3A_690 : i32
      %add3A_692 = arith.addi %mul3A_2, %mul3A_691 : i32
      %add3A_693 = arith.constant 15 : i32
      %add3A_694 = arith.addi %add3A_692, %add3A_693 : i32
      %dma_start3A_695 = arith.constant 0 : i32
      %dma_start3A_696 = tpu.memref_slice %arg5[%add3A_694, %dma_start3A_695] : memref<16384x64xf32, #tpu.memory_space<hbm>> -> memref<1x64xf32, #tpu.memory_space<hbm>>
      %dma_start3A_697 = arith.constant 0 : i32
      %dma_start3A_698 = tpu.memref_slice %arg4[%reduce_max3A_689, %dma_start3A_697] : memref<1000000x64xf32, #tpu.memory_space<hbm>> -> memref<1x64xf32, #tpu.memory_space<hbm>>
      tpu.enqueue_dma source(%dma_start3A_698 : memref<1x64xf32, #tpu.memory_space<hbm>>) target(%dma_start3A_696 : memref<1x64xf32, #tpu.memory_space<hbm>>) target_semaphore(%arg9 : memref<!tpu.dma_semaphore, #tpu.memory_space<semaphore_mem>>)
    }
    %scan3A_325 = arith.constant 32 : i32
    %scan3A_326 = arith.constant 0 : i32
    %scan3A_327 = arith.constant 0 : i32
    %scan3A_328 = arith.constant 512 : i32
    %scan3A_329 = arith.addi %scan3A_327, %scan3A_328 : i32
    %scan3A_330 = arith.constant 1 : i32
    scf.for %scan3A_332 = %scan3A_327 to %scan3A_329 step %scan3A_330  : i32 {
      %dma_wait3A = arith.constant 0 : i32
      %dma_wait3A_333 = tpu.memref_slice %arg5[%mul3A_2, %dma_wait3A] : memref<16384x64xf32, #tpu.memory_space<hbm>> -> memref<1x64xf32, #tpu.memory_space<hbm>>
      %dma_wait3A_334 = arith.constant 0 : i32
      %dma_wait3A_335 = arith.constant 0 : i32
      %dma_wait3A_336 = tpu.memref_slice %arg4[%dma_wait3A_334, %dma_wait3A_335] : memref<1000000x64xf32, #tpu.memory_space<hbm>> -> memref<1x64xf32, #tpu.memory_space<hbm>>
      tpu.wait_dma2 semaphore(%arg9 : memref<!tpu.dma_semaphore, #tpu.memory_space<semaphore_mem>>) src(%dma_wait3A_336 : memref<1x64xf32, #tpu.memory_space<hbm>>) dst(%dma_wait3A_333 : memref<1x64xf32, #tpu.memory_space<hbm>>)
    }
    %scan3A_331 = arith.constant 512 : i32
    return
  }
}

</mosaic_0001>

<sc_bundles>
// kernel: kernel.3.cloned.1.call-start
scs
__scs_entry_jumppad:
0x0: {  	(pc) =	sbr.rel $0x88, $3  }
0x1: {  	(tag) =	ssettag $0x0;
	lr =	simm.s32 $0x1  }
0x2: {  	[smem:$0x3F9E] =	sst lr;
	_ =	strace $0xD0000000  }
0x3: {  	_ = 	snop  }
0x4: {  	_ = 	snop  }
0x5: {  	_ = 	snop  }
0x6: {  	_ = 	snop  }
0x7: {  	_ = 	snop  }
__scs_overlays_trampoline_lowered:
0x8: {  	[smem:$0x3FAD] =	sst s0  }
0x9: {  	[smem:$0x3FAE] =	sst s1  }
0xa: {  	[smem:$0x3FAF] =	sst s2  }
0xb: {  	[smem:$0x3FB0] =	sst s3  }
0xc: {  	[smem:$0x3FB1] =	sst s4  }
0xd: {  	[smem:$0x3FB2] =	sst s5  }
0xe: {  	[smem:$0x3FB3] =	sst s6  }
0xf: {  	[smem:$0x3FB4] =	sst s7  }
0x10: {  	[smem:$0x3FB5] =	sst s8  }
0x11: {  	[smem:$0x3FB6] =	sst s9;
	s0 =	simm.s32 @!p0 $0x0  }
0x12: {  	s1 =	sld [smem:$0x3F9C];
	s0 =	simm.s32 @p0 $0x1  }
0x13: {  	[smem:$0x3FB7] =	sst s0;
	s0 =	simm.s32 @!p1 $0x0  }
0x14: {  	s2 =	sld [smem:$0x3F9B];
	s0 =	simm.s32 @p1 $0x1  }
0x15: {  	[smem:$0x3FB8] =	sst s0;
	s0 =	simm.s32 @!p2 $0x0  }
0x16: {  	s3 =	sld [smem:$0x3FDB];
	s0 =	simm.s32 @p2 $0x1  }
0x17: {  	s4 =	simm.s32 $0x1BF5;
	[smem:$0x3FBA] =	sst s0  }
0x18: {  	s0 =	sld [smem:$0x3F9D];
	_ =	swait.ge [sflag:s4], $0x0  }
0x19: {  	s7 =	sld [smem:$0x3F9E]  }
0x1a: {  	s8 =	sadd.s32 $0xFFFFE003, lr  }
0x1b: {  	s9 =	sadd.s32 $0xFFFFFEF7, lr;
	s5 =	simm.s32 $0xFFFFFFFF;
	p2 =	slt.u32 s8, $0xFFFFF086  }
0x1c: {  	p1 =	slt.u32 s9, $0xF7A;
	s5 =	simm.s32 @!p2 $0x0  }
0x1d: {  	s5 =	simm.s32 @p1 $0x1;
	p0 =	seq.s32 s7, s2  }
0x1e: {  	s7 =	smul.u32 @!p0 $0xF7A, s2;
	p2 =	seq.s32 @!p0 s5, $0x0  }
0x1f: {  	s9 =	smul.u32 $0xF7A, s1;
	s8 =	simm.s32 @!p0 $0x1BF5;
	p2 =	por !p2, p0  }
0x20: {  	[sflag:s8] =	ssyncset.s32 @!p0 $0xFFFFF086;
	s6 =	sadd.s32 @!p0 s3, s7;
	s7 =	simm.s32 @!p0 $0x108  }
0x21: {  	s3 =	sadd.s32 s3, s9;
	s6 =	sadd.s32 @!p0 $0x88, s6;
	s7 =	simm.s32 @p2 $0x1082  }
0x22: {  	[simem:s7], [sflag:s8] =	dma.local @!p0 [hbm:s6], $0xF7A  }
0x23: {  	s9 =	sor.u32 $0xD0000000, s2;
	s6 =	simm.s32 $0x108;
	_ =	swait.ge @!p0 [sflag:s8], $0x0  }
0x24: {  	s3 =	sadd.s32 $0x88, s3;
	s6 =	simm.s32 @!p1 $0x1082;
	[sflag:s4] =	ssyncset.s32 $0xFFFFF086  }
0x25: {  	[simem:s6], [sflag:s4] =	dma.local [hbm:s3], $0xF7A  }
0x26: {  	[smem:$0x3F9E] =	sst s1;
	(tag) =	ssettag s2;
	_ =	strace s9  }
0x27: {  	s1 =	sld [smem:$0x3FAE]  }
0x28: {  	s2 =	sld [smem:$0x3FAF]  }
0x29: {  	s4 =	sld [smem:$0x3FB1]  }
0x2a: {  	p0 =	seq.s32 s5, $0x0;
	s5 =	sld [smem:$0x3FB2]  }
0x2b: {  	s6 =	sld [smem:$0x3FB3]  }
0x2c: {  	s7 =	sld [smem:$0x3FB4]  }
0x2d: {  	s3 =	simm.s32 $0x108;
	s8 =	sld [smem:$0x3FB5]  }
0x2e: {  	s3 =	simm.s32 @!p0 $0x1082;
	s9 =	sld [smem:$0x3FB6]  }
0x2f: {  	lr =	sadd.s32 s0, s3;
	s0 =	sld [smem:$0x3FAD]  }
0x30: {  	s3 =	sld [smem:$0x3FB0]  }
0x31: {  	[smem:$0x3FB9] =	sst s10  }
0x32: {  	s10 =	sld [smem:$0x3FB7];
	_ =	sdelay $0x3  }
0x33: {  	p0 =	seq.s32 s10, $0x1;
	s10 =	sld [smem:$0x3FB9];
	_ =	sdelay $0x3  }
0x34: {  	[smem:$0x3FB9] =	sst s10  }
0x35: {  	s10 =	sld [smem:$0x3FB8];
	_ =	sdelay $0x3  }
0x36: {  	p1 =	seq.s32 s10, $0x1;
	s10 =	sld [smem:$0x3FB9];
	_ =	sdelay $0x3  }
0x37: {  	[smem:$0x3FB9] =	sst s10  }
0x38: {  	s10 =	sld [smem:$0x3FBA]  }
0x39: {  	_ = 	snop;
	(pc) =	sbr.ind lr, $3  }
0x3a: {  	_ = 	snop  }
0x3b: {  	_ = 	snop  }
0x3c: {  	p2 =	seq.s32 s10, $0x1;
	s10 =	sld [smem:$0x3FB9]  }
0x3d: {  	_ =	shalt  }
0x3e: {  	_ =	shalt  }
0x3f: {  	_ =	shalt  }
0x40: {  	_ =	shalt  }
0x41: {  	_ =	shalt  }
0x42: {  	_ =	shalt  }
0x43: {  	_ =	shalt  }
0x44: {  	_ =	shalt  }
0x45: {  	_ =	shalt  }
0x46: {  	_ =	shalt  }
0x47: {  	_ =	shalt  }
0x48: {  	_ =	shalt  }
0x49: {  	_ =	shalt  }
0x4a: {  	_ =	shalt  }
0x4b: {  	_ =	shalt  }
0x4c: {  	_ =	shalt  }
0x4d: {  	_ =	shalt  }
0x4e: {  	_ =	shalt  }
0x4f: {  	_ =	shalt  }
0x50: {  	_ =	shalt  }
0x51: {  	_ =	shalt  }
0x52: {  	_ =	shalt  }
0x53: {  	_ =	shalt  }
0x54: {  	_ =	shalt  }
0x55: {  	_ =	shalt  }
0x56: {  	_ =	shalt  }
0x57: {  	_ =	shalt  }
0x58: {  	_ =	shalt  }
0x59: {  	_ =	shalt  }
0x5a: {  	_ =	shalt  }
0x5b: {  	_ =	shalt  }
0x5c: {  	_ =	shalt  }
0x5d: {  	_ =	shalt  }
0x5e: {  	_ =	shalt  }
0x5f: {  	_ =	shalt  }
0x60: {  	_ =	shalt  }
0x61: {  	_ =	shalt  }
0x62: {  	_ =	shalt  }
0x63: {  	_ =	shalt  }
0x64: {  	_ =	shalt  }
0x65: {  	_ =	shalt  }
0x66: {  	_ =	shalt  }
0x67: {  	_ =	shalt  }
0x68: {  	_ =	shalt  }
0x69: {  	_ =	shalt  }
0x6a: {  	_ =	shalt  }
0x6b: {  	_ =	shalt  }
0x6c: {  	_ =	shalt  }
0x6d: {  	_ =	shalt  }
0x6e: {  	_ =	shalt  }
0x6f: {  	_ =	shalt  }
0x70: {  	_ =	shalt  }
0x71: {  	_ =	shalt  }
0x72: {  	_ =	shalt  }
0x73: {  	_ =	shalt  }
0x74: {  	_ =	shalt  }
0x75: {  	_ =	shalt  }
0x76: {  	_ =	shalt  }
0x77: {  	_ =	shalt  }
0x78: {  	_ =	shalt  }
0x79: {  	_ =	shalt  }
0x7a: {  	_ =	shalt  }
0x7b: {  	_ =	shalt  }
0x7c: {  	_ =	shalt  }
0x7d: {  	_ =	shalt  }
0x7e: {  	_ =	shalt  }
0x7f: {  	_ =	shalt  }
0x80: {  	_ =	shalt  }
0x81: {  	_ =	shalt  }
0x82: {  	_ =	shalt  }
0x83: {  	_ =	shalt  }
0x84: {  	_ =	shalt  }
0x85: {  	_ =	shalt  }
0x86: {  	_ =	shalt  }
0x87: {  	_ =	shalt  }
.Lfunc_end0:
.L_simem_size_0:
called_computation_lowered:
.L_overlay_start_0:
0x88: {  	s2 =	sld [smem:$0x3FD9]  }
0x89: {  	s3 =	sld [smem:$0x3FFE];
	_ =	sdelay $0x1  }
0x8a: {  	s1 =	srdreg.scid  }
0x8b: {  	s0 =	sand.u32 $0x1, s1  }
0x8c: {  	s17 =	sshll.u32 s0, $0xA;
	s2 =	sadd.s32 s3, s2  }
0x8d: {  	s2 =	sadd.s32 s2, s17  }
0x8e: {  	[smem:$0x3FC5] =	sst s2  }
0x8f: {  	_ = 	snop  }
0x90: {  	s2 =	sld [smem:$0x3FC9]  }
0x91: {  	s18 =	sld [smem:$0x3FC8];
	(tm) =	ssettm $0x1  }
0x92: {  	s4 =	sld [smem:$0x3FFB];
	_ =	sdelay $0x3  }
0x93: {  	_ =	strace s4  }
0x94: {  	s4 =	sld [smem:$0x3FFC];
	_ =	sdelay $0x3  }
0x95: {  	_ =	strace s4  }
0x96: {  	s4 =	sld [smem:$0x3FFD];
	_ =	sdelay $0x3  }
0x97: {  	_ =	strace s4  }
0x98: {  	_ =	strace $0x8FFFFFFF  }
0x99: {  	s19 =	sld [smem:$0x3FDB];
	_ =	sdelay $0x1  }
0x9a: {  	s5 =	simm.s32 $_scs_section_size  }
0x9b: {  	s6 =	simm.s32 $_size__tile_overlayer_lowered;
	s7 =	simm.s32 $_tile_overlayer_lowered  }
0x9c: {  	s22 =	simm.s32 $0x1BFF;
	s21 =	sshll.u32 s7, $0x1;
	s4 =	sadd.s32 s5, s19  }
0x9d: {  	s8 =	simm.s32 $0x0;
	s20 =	sshll.u32 s6, $0x1;
	s6 =	sadd.s32 s21, s4  }
0x9e: {  	[timem:s8], [sflag:s22] =	dma.local [hbm:s6], s20  }
0x9f: {  	_ =	swait.ge [sflag:s22], s20  }
0xa0: {  	s5 =	ssub.s32 $0x0, s20;
	[sflag:s22] =	ssyncset.done $0x0  }
0xa1: {  	[sflag:s22] =	ssyncadd.s32 s5;
	_ =	sdelay $0x1  }
0xa2: {  	s23 =	simm.s32 $0x1B8B  }
0xa3: {  	_ =	swait.ge [sflag:s23], $0x1  }
0xa4: {  	[sflag:s23] =	ssyncset.done $0x0  }
0xa5: {  	s25 =	simm.s32 $0x1B8E;
	s24 =	sld [smem:$0x3FFE];
	[sflag:s23] =	ssyncadd.s32 $0xFFFFFFFF  }
0xa6: {  	s26 =	simm.s32 $execute0_lowered;
	[smem:$0x3FD2] =	sst s25  }
0xa7: {  	s6 =	sshll.u32 s26, $0x1;
	_ =	strace $0x80000046;
	[dreg:$0x1] =	wrdreg $0xFFFFFFFF  }
0xa8: {  	s28 =	simm.s32 $_size_execute0_lowered;
	s4 =	sadd.s32 s4, s6;
	[dreg:$0x0] =	wrdreg $0x0  }
0xa9: {  	s6 =	sshll.u32 s28, $0x1;
	[dreg:$0x2] =	wrdreg s4  }
0xaa: {  	[dreg:$0x3] =	wrdreg s6  }
0xab: {  	[dreg:$0x4] =	wrdreg $0xC0  }
0xac: {  	_ =	task [dreg:s8], $0x5FFFF  }
0xad: {  	[dreg:$0x1] =	wrdreg $0xFFFFFFFF  }
0xae: {  	[dreg:$0x0] =	wrdreg $0x60  }
0xaf: {  	[dreg:$0x2] =	wrdreg s2  }
0xb0: {  	[dreg:$0x3] =	wrdreg s18  }
0xb1: {  	[dreg:$0x4] =	wrdreg s24  }
0xb2: {  	[dreg:$0x5] =	wrdreg $0x9  }
0xb3: {  	_ =	task.clear_ibuf [dreg:s8], $0x6FFFF;
	_ =	strace $0x90000046  }
0xb4: {  	s29 =	simm.s32 $0x9;
	_ =	strace $0x80000048  }
0xb5: {  	_ =	swait.ge [sflag:s29], $0x1  }
0xb6: {  	[sflag:s29] =	ssyncadd.s32 $0xFFFFFFFF  }
0xb7: {  	_ =	strace $0x90000048  }
0xb8: {  	_ =	sfence  }
0xb9: {  	s30 =	sld [smem:$0x0];
	_ =	sdelay $0x2  }
0xba: {  	s31 =	sshll.u32 s1, $0xD;
	s1 =	sshrl.u32 s1, $0x2  }
0xbb: {  	s3 =	sand.u32 $0x4000, s31;
	s1 =	sadd.s32 s1, s30  }
0xbc: {  	s0 =	sor.u32 s3, s0;
	s1 =	sshll.u32 s1, $0x11  }
0xbd: {  	s0 =	sor.u32 s1, s0  }
0xbe: {  	s0 =	sadd.s32 $0x8F2B, s0  }
0xbf: {  	[sflag:s0] =	ssyncadd.remote.s32 $0x1  }
0xc0: {  	_ =	sfence.sel $0xFFFF  }
0xc1: {  	[dreg:$0x0] =	wrdreg $0xFFFFFFFF;
	(pc) =	sbr.abs _section_cstart, $3  }
0xc2: {  	[dreg:$0x1] =	wrdreg $0xFFFFFFFF  }
0xc3: {  	_ =	task.clear_ibuf [dreg:s8], $0x2FFFF;
	_ =	strace $0x9FFFFFFF  }
0xc4: {  	(tm) =	ssettm $0x7FFFFFFF  }
0xc5: {  	_ =	shalt  }
tec
execute0_lowered:
.L_overlay_start_1:
0x0: {  	(tag) =	ssettag $0x1  }
0x1: {  	s0 =	rddreg [dreg:$0x0]  }
0x2: {  	s1 =	rddreg [dreg:$0x1]  }
0x3: {  	s4 =	rddreg [dreg:$0x2];
	s2 =	simm.s32 $0x0;
	s25 =	stileid.u32  }
0x4: {  	s5 =	srdreg.scid;
	s3 =	sadd.s32 $0x400, s4;
	s6 =	sshll.u32 s25, $0xE  }
0x5: {  	s5 =	sand.u32 $0x1, s5;
	s26 =	sshll.u32 s25, $0xA;
	s4 =	sadd.s32 s6, s4  }
0x6: {  	s7 =	sshll.u32 s5, $0x9;
	s8 =	ssub.s32 $0x2, s5;
	s5 =	sshll.u32 s5, $0xD  }
0x7: {  	vm1 =	vcmask $0x308;
	[smem:$0x7FF] =	sst s2;
	s6 =	sor.u32 s7, s26;
	s5 =	sadd.s32 s5, s4  }
0x8: {  	vm0 =	vmmov $0x1;
	vm2 =	vcmask $0x70C;
	vm3 =	vcmask $0xB10;
	_ =	strace $0x80000047;
	s6 =	sshrl.u32 s6, $0x3;
	s29 =	sadd.s32 $0xF42800, s5  }
0x9: {  	vm4 =	vcmask $0xF14;
	vm5 =	vcmask $0x1318;
	vm6 =	vcmask $0x171C;
	s28 =	sshrl.u32 s8, $0x1;
	s0 =	sadd.s32 s0, s6;
	[dreg:$0x4] =	wrdreg s29  }
0xa: {  	vm7 =	vcmask $0x1B20;
	vm8 =	vcmask $0x1F24;
	vm9 =	vcmask $0x2328;
	s7 =	ssub.s32 s8, s28;
	s1 =	sadd.s32 s1, s6;
	[dreg:$0x7] =	wrdreg s0  }
0xb: {  	vm10 =	vcmask $0x272C;
	vm11 =	vcmask $0x2B30;
	vm12 =	vcmask $0x2F34;
	s31 =	sshll.u32 s25, $0x6;
	s30 =	smax.u32 s7, $0x1;
	[dreg:$0x8] =	wrdreg s1  }
0xc: {  	vm13 =	vcmask $0x3338;
	vm14 =	vcmask $0x373C;
	vm15 =	vmmov $0x7fff;
	s2 =	simm.s32 $0x0;
	s9 =	sor.u32 $0x1C01, s31;
	[dreg:$0x9] =	wrdreg s30  }
.LBB2_1:
0xd: {  	[dreg:$0xa] =	wrdreg s2  }
0xe: {  	s0 =	simm.s32 $0x0;
	s1 =	rddreg [dreg:$0x7];
	s30 =	simm.s32 $0x2  }
0xf: {  	[tilespmem:s0], [sflag:$0x2] =	stream.linear.gather [hbm4b:s1+s0], $0x200, $0x38;
	[tilespmem:$0x600] =	vst v63  }
0x10: {  	_ =	swait.ge [sflag:s30], $0x200  }
0x11: {  	[sflag:s30] =	ssyncset.done $0x0  }
0x12: {  	s4 =	simm.s32 $0x200;
	s31 =	rddreg [dreg:$0x8];
	[sflag:s30] =	ssyncadd.s32 $0xFFFFFE00  }
0x13: {  	[tilespmem:s4], [sflag:$0x2] =	stream.linear.gather [hbm4b:s31+s0], $0x200, $0x38;
	[tilespmem:$0x600] =	vst v63  }
0x14: {  	_ =	swait.ge [sflag:s30], $0x200  }
0x15: {  	[sflag:s30] =	ssyncset.done $0x0  }
0x16: {  	[sflag:s30] =	ssyncadd.s32 $0xFFFFFE00  }
0x17: {  	v0 =	vld [tilespmem:$0x0]  }
0x18: {  	v1 =	vld [tilespmem:$0x200]  }
0x19: {  	v2 =	vld [tilespmem:$0x10]  }
0x1a: {  	v3 =	vld [tilespmem:$0x210]  }
0x1b: {  	v4 =	vld [tilespmem:$0x20]  }
0x1c: {  	v5 =	vld [tilespmem:$0x220]  }
0x1d: {  	v6 =	vld [tilespmem:$0x30]  }
0x1e: {  	v7 =	vld [tilespmem:$0x230]  }
0x1f: {  	v8 =	vld [tilespmem:$0x40]  }
0x20: {  	v9 =	vld [tilespmem:$0x240]  }
0x21: {  	v10 =	vld [tilespmem:$0x50]  }
0x22: {  	v11 =	vld [tilespmem:$0x250]  }
0x23: {  	v12 =	vld [tilespmem:$0x60]  }
0x24: {  	v13 =	vld [tilespmem:$0x260]  }
0x25: {  	v14 =	vld [tilespmem:$0x70]  }
0x26: {  	v15 =	vld [tilespmem:$0x270]  }
0x27: {  	v16 =	vld [tilespmem:$0x80]  }
0x28: {  	v17 =	vld [tilespmem:$0x280]  }
0x29: {  	v18 =	vld [tilespmem:$0x90]  }
0x2a: {  	v19 =	vld [tilespmem:$0x290]  }
0x2b: {  	v20 =	vld [tilespmem:$0xA0]  }
0x2c: {  	v21 =	vld [tilespmem:$0x2A0]  }
0x2d: {  	v22 =	vld [tilespmem:$0xB0]  }
0x2e: {  	v23 =	vld [tilespmem:$0x2B0]  }
0x2f: {  	v24 =	vld [tilespmem:$0xC0]  }
0x30: {  	v25 =	vld [tilespmem:$0x2C0]  }
0x31: {  	v26 =	vld [tilespmem:$0xD0]  }
0x32: {  	v27 =	vld [tilespmem:$0x2D0]  }
0x33: {  	v28 =	vld [tilespmem:$0xE0]  }
0x34: {  	v29 =	vld [tilespmem:$0x2E0]  }
0x35: {  	v30 =	vld [tilespmem:$0xF0]  }
0x36: {  	v31 =	vld [tilespmem:$0x2F0]  }
0x37: {  	v32 =	vld [tilespmem:$0x100]  }
0x38: {  	v33 =	vld [tilespmem:$0x300]  }
0x39: {  	v34 =	vld [tilespmem:$0x110]  }
0x3a: {  	v35 =	vld [tilespmem:$0x310];
	v1 =	vmul.u32 $0x3E8, v1  }
0x3b: {  	v36 =	vld [tilespmem:$0x120];
	v3 =	vmul.u32 $0x3E8, v3  }
0x3c: {  	v59 =	vld [tilespmem:$0x320];
	v0 =	vadd.s32 v0, v1;
	v1 =	vmul.u32 $0x3E8, v5  }
0x3d: {  	v60 =	vld [tilespmem:$0x330];
	[tilespmem:$0x400] =	vst v0;
	v0 =	vadd.s32 v2, v3;
	v2 =	vmul.u32 $0x3E8, v7  }
0x3e: {  	v61 =	vld [tilespmem:$0x140];
	[tilespmem:$0x410] =	vst v0;
	v0 =	vadd.s32 v4, v1;
	v1 =	vmul.u32 $0x3E8, v9  }
0x3f: {  	v62 =	vld [tilespmem:$0x340];
	[tilespmem:$0x420] =	vst v0;
	v0 =	vadd.s32 v6, v2;
	v2 =	vmul.u32 $0x3E8, v11  }
0x40: {  	v63 =	vld [tilespmem:$0x150];
	[tilespmem:$0x430] =	vst v0;
	v0 =	vadd.s32 v8, v1;
	v1 =	vmul.u32 $0x3E8, v13  }
0x41: {  	v37 =	vld [tilespmem:$0x350];
	[tilespmem:$0x440] =	vst v0;
	v0 =	vadd.s32 v10, v2;
	v2 =	vmul.u32 $0x3E8, v15  }
0x42: {  	v38 =	vld [tilespmem:$0x160];
	[tilespmem:$0x450] =	vst v0;
	v0 =	vadd.s32 v12, v1;
	v1 =	vmul.u32 $0x3E8, v17  }
0x43: {  	v39 =	vld [tilespmem:$0x360];
	[tilespmem:$0x460] =	vst v0;
	v0 =	vadd.s32 v14, v2;
	v2 =	vmul.u32 $0x3E8, v19  }
0x44: {  	v40 =	vld [tilespmem:$0x170];
	[tilespmem:$0x470] =	vst v0;
	v0 =	vadd.s32 v16, v1;
	v1 =	vmul.u32 $0x3E8, v21  }
0x45: {  	v41 =	vld [tilespmem:$0x370];
	[tilespmem:$0x480] =	vst v0;
	v0 =	vadd.s32 v18, v2;
	v2 =	vmul.u32 $0x3E8, v23  }
0x46: {  	v42 =	vld [tilespmem:$0x180];
	[tilespmem:$0x490] =	vst v0;
	v0 =	vadd.s32 v20, v1;
	v1 =	vmul.u32 $0x3E8, v25  }
0x47: {  	v43 =	vld [tilespmem:$0x380];
	[tilespmem:$0x4A0] =	vst v0;
	v0 =	vadd.s32 v22, v2;
	v2 =	vmul.u32 $0x3E8, v27  }
0x48: {  	v44 =	vld [tilespmem:$0x190];
	[tilespmem:$0x4B0] =	vst v0;
	v0 =	vadd.s32 v24, v1;
	v1 =	vmul.u32 $0x3E8, v29  }
0x49: {  	v45 =	vld [tilespmem:$0x390];
	[tilespmem:$0x4C0] =	vst v0;
	v0 =	vadd.s32 v26, v2;
	v2 =	vmul.u32 $0x3E8, v31  }
0x4a: {  	v3 =	vld [tilespmem:$0x130];
	[tilespmem:$0x4D0] =	vst v0;
	v0 =	vadd.s32 v28, v1;
	v1 =	vmul.u32 $0x3E8, v33  }
0x4b: {  	v46 =	vld [tilespmem:$0x1A0];
	[tilespmem:$0x4E0] =	vst v0;
	v0 =	vadd.s32 v30, v2;
	v2 =	vmul.u32 $0x3E8, v35  }
0x4c: {  	v47 =	vld [tilespmem:$0x3A0];
	[tilespmem:$0x4F0] =	vst v0;
	v0 =	vadd.s32 v32, v1;
	v1 =	vmul.u32 $0x3E8, v59  }
0x4d: {  	v48 =	vld [tilespmem:$0x1B0];
	[tilespmem:$0x500] =	vst v0;
	v0 =	vadd.s32 v34, v2;
	v2 =	vmul.u32 $0x3E8, v60  }
0x4e: {  	v49 =	vld [tilespmem:$0x3B0];
	[tilespmem:$0x510] =	vst v0;
	v0 =	vadd.s32 v36, v1;
	v1 =	vmul.u32 $0x3E8, v62  }
0x4f: {  	v50 =	vld [tilespmem:$0x3C0];
	[tilespmem:$0x520] =	vst v0;
	v0 =	vadd.s32 v3, v2;
	v2 =	vmul.u32 $0x3E8, v37  }
0x50: {  	v51 =	vld [tilespmem:$0x1D0];
	[tilespmem:$0x530] =	vst v0;
	v0 =	vadd.s32 v61, v1;
	v1 =	vmul.u32 $0x3E8, v39  }
0x51: {  	v52 =	vld [tilespmem:$0x3D0];
	[tilespmem:$0x540] =	vst v0;
	v0 =	vadd.s32 v63, v2;
	v2 =	vmul.u32 $0x3E8, v41  }
0x52: {  	v53 =	vld [tilespmem:$0x3E0];
	[tilespmem:$0x550] =	vst v0;
	v0 =	vadd.s32 v38, v1;
	v1 =	vmul.u32 $0x3E8, v43  }
0x53: {  	v3 =	vld [tilespmem:$0x1C0];
	[tilespmem:$0x560] =	vst v0;
	v0 =	vadd.s32 v40, v2;
	v2 =	vmul.u32 $0x3E8, v45  }
0x54: {  	v54 =	vld [tilespmem:$0x3F0];
	[tilespmem:$0x570] =	vst v0;
	v0 =	vadd.s32 v42, v1;
	v1 =	vmul.u32 $0x3E8, v47  }
0x55: {  	v55 =	vld [tilespmem:$0x1E0];
	[tilespmem:$0x580] =	vst v0;
	v0 =	vadd.s32 v44, v2;
	v2 =	vmul.u32 $0x3E8, v49  }
0x56: {  	v56 =	vld [tilespmem:$0x1F0];
	[tilespmem:$0x590] =	vst v0;
	v0 =	vadd.s32 v46, v1;
	v1 =	vmul.u32 $0x3E8, v50  }
0x57: {  	[tilespmem:$0x5A0] =	vst v0;
	v0 =	vadd.s32 v48, v2;
	v2 =	vmul.u32 $0x3E8, v52  }
0x58: {  	[tilespmem:$0x5B0] =	vst v0;
	v0 =	vadd.s32 v3, v1;
	v1 =	vmul.u32 $0x3E8, v53  }
0x59: {  	[tilespmem:$0x5C0] =	vst v0;
	v0 =	vadd.s32 v51, v2;
	v2 =	vmul.u32 $0x3E8, v54  }
0x5a: {  	[tilespmem:$0x5D0] =	vst v0;
	v0 =	vadd.s32 v55, v1  }
0x5b: {  	[tilespmem:$0x5E0] =	vst v0;
	v0 =	vadd.s32 v56, v2  }
0x5c: {  	s12 =	simm.s32 $0x400;
	[tilespmem:$0x5F0] =	vst v0  }
0x5d: {  	v0 =	vld [tilespmem:s12+$0x0];
	_ =	sdelay $0x4  }
0x5e: {  	v1 =	vsel vm5, $0xFFFFFFFF, v0  }
0x5f: {  	v2 =	vsel vm10, $0xFFFFFFFF, v0;
	v1 =	vxor.u32 $0x80000000, v1  }
0x60: {  	v3 =	vsel vm12, $0xFFFFFFFF, v0;
	v2 =	vxor.u32 $0x80000000, v2;
	(xrf0) =	vmax.scan.msk.u32 $0xffff, v1  }
0x61: {  	v1 =	vxor.u32 $0x80000000, v3;
	v3 =	vnsel vm0, $0xFFFFFFFF, v0;
	(xrf0) =	vmax.scan.msk.u32 $0xffff, v2  }
0x62: {  	v2 =	vxor.u32 $0x80000000, v3;
	v3 =	vsel vm2, $0xFFFFFFFF, v0;
	(xrf0) =	vmax.scan.msk.u32 $0xffff, v1  }
0x63: {  	v1 =	vsel vm1, $0xFFFFFFFF, v0;
	v3 =	vxor.u32 $0x80000000, v3;
	(xrf0) =	vmax.scan.msk.u32 $0xffff, v2;
	v2 =	vsel vm3, $0xFFFFFFFF, v0  }
0x64: {  	v1 =	vxor.u32 $0x80000000, v1;
	(xrf0) =	vmax.scan.msk.u32 $0xffff, v3;
	v3 =	vsel vm4, $0xFFFFFFFF, v0;
	v2 =	vxor.u32 $0x80000000, v2  }
0x65: {  	(xrf0) =	vmax.scan.msk.u32 $0xffff, v1;
	v1 =	vsel vm7, $0xFFFFFFFF, v0;
	v3 =	vxor.u32 $0x80000000, v3  }
0x66: {  	v1 =	vxor.u32 $0x80000000, v1  }
0x67: {  	(xrf0) =	vmax.scan.msk.u32 $0xffff, v2;
	v2, _, _ =	vpop (xrf0)  }
0x68: {  	(xrf0) =	vmax.scan.msk.u32 $0xffff, v3;
	v3, _, _ =	vpop (xrf0)  }
0x69: {  	v57 =	vsel vm11, $0xFFFFFFFF, v0;
	v58 =	vsel vm6, $0xFFFFFFFF, v0;
	(v2sf) =	vpush v2, $0xF;
	(xrf0) =	vmax.scan.msk.u32 $0xffff, v1;
	v1, _, _ =	vpop (xrf0)  }
0x6a: {  	v59 =	vsel vm9, $0xFFFFFFFF, v0;
	v4 =	vxor.u32 $0x80000000, v57;
	(v2sf) =	vpush v3, $0xF;
	v3, _, _ =	vpop (xrf0)  }
0x6b: {  	v5 =	vxor.u32 $0x80000000, v58;
	v2 =	vsel vm8, $0xFFFFFFFF, v0;
	(xrf0) =	vmax.scan.msk.u32 $0xffff, v4;
	(v2sf) =	vpush v1, $0xF;
	v1, _, _ =	vpop (xrf0)  }
0x6c: {  	v2 =	vxor.u32 $0x80000000, v2;
	(xrf0) =	vmax.scan.msk.u32 $0xffff, v5;
	(v2sf) =	vpush v1, $0xF;
	v1 =	vsel vm14, $0xFFFFFFFF, v0  }
0x6d: {  	v60 =	vsel vm13, $0xFFFFFFFF, v0;
	v4 =	vxor.u32 $0x80000000, v59;
	(xrf0) =	vmax.scan.msk.u32 $0xffff, v2;
	v61, _, _ =	vpop (xrf0);
	v0 =	vsel vm15, $0xFFFFFFFF, v0  }
0x6e: {  	v2 =	vxor.u32 $0x80000000, v60;
	(xrf0) =	vmax.scan.msk.u32 $0xffff, v4;
	(v2sf) =	vpush v61, $0xF;
	v62, _, _ =	vpop (xrf0)  }
0x6f: {  	v63 =	vxor.u32 $0x80000000, v1;
	(xrf0) =	vmax.scan.msk.u32 $0xffff, v2;
	(v2sf) =	vpush v3, $0xF;
	v1, _, _ =	vpop (xrf0)  }
0x70: {  	s14 =	simm.s32 $0x100;
	s17 =	simm.s32 $0x0;
	s15 =	rddreg [dreg:$0x4];
	v2 =	vxor.u32 $0x80000000, v0;
	(xrf0) =	vmax.scan.msk.u32 $0xffff, v63;
	(v2sf) =	vpush v62, $0xF;
	v0, _, _ =	vpop (xrf0)  }
.LBB2_2:
0x71: {  	_ =	sdelay $0x1  }
0x72: {  	v3, _, _ =	vpop (xrf0);
	(xrf0) =	vmax.scan.msk.u32 $0xffff, v2  }
0x73: {  	s12 =	sadd.s32 $0x10, s12;
	s0 =	smov.u32 s14;
	s31 =	sadd.s32 s17, s15;
	v2, _, _ =	vpop (xrf0);
	(v2sf) =	vpush v3, $0xF  }
0x74: {  	s17 =	smov.u32 s0;
	s16 =	sadd.s32 $0x10, s31;
	s19 =	sadd.s32 $0x20, s31;
	v3, _, _ =	vpop (xrf0)  }
0x75: {  	s20 =	sadd.s32 $0x40, s31;
	s18 =	sadd.s32 $0x50, s31;
	s22 =	sadd.s32 $0x30, s31;
	(v2sf) =	vpush v3, $0xF;
	v3, _, _ =	vpop (xrf0)  }
0x76: {  	s21 =	sadd.s32 $0x70, s31;
	s15 =	sadd.s32 $0xB0, s31;
	s1 =	sadd.s32 $0xC0, s31;
	v4, _, _ =	vpop (xrf0)  }
0x77: {  	s25 =	sadd.s32 $0x60, s31;
	s6 =	sadd.s32 $0xE0, s31;
	s24 =	sadd.s32 $0x90, s31;
	(v2sf) =	vpush v1, $0xF;
	v1, _, _ =	vpop (xrf0)  }
0x78: {  	s23 =	sadd.s32 $0xA0, s31;
	[dreg:$0x5] =	wrdreg s1;
	v5, _, _ =	vpop (xrf0);
	s7 =	spop (v2sf)  }
0x79: {  	[dreg:$0x6] =	wrdreg s6;
	(v2sf) =	vpush v5, $0xF;
	s26 =	spop (v2sf);
	s1 =	sshll.u32 s7, $0x4  }
0x7a: {  	(v2sf) =	vpush v3, $0xF;
	s26 =	sshll.u32 s26, $0x4;
	s1 =	sand.u32 $0x1FFFFFF0, s1;
	s28 =	spop (v2sf)  }
0x7b: {  	(v2sf) =	vpush v2, $0xF;
	s29 =	sand.u32 $0x1FFFFFF0, s26;
	s26 =	sadd.s32 $0xF0, s31;
	s1 =	sadd.s32 s3, s1  }
0x7c: {  	s8 =	sshll.u32 s28, $0x4;
	s10 =	spop (v2sf);
	s29 =	sadd.s32 s3, s29  }
0x7d: {  	(v2sf) =	vpush v0, $0xF;
	s30 =	sand.u32 $0x1FFFFFF0, s8;
	s28 =	sshll.u32 s10, $0x4;
	s8 =	spop (v2sf)  }
0x7e: {  	(v2sf) =	vpush v4, $0xF;
	s8 =	sshll.u32 s8, $0x4;
	s2 =	sand.u32 $0x1FFFFFF0, s28;
	s11 =	spop (v2sf)  }
0x7f: {  	(v2sf) =	vpush v1, $0xF;
	s30 =	sadd.s32 s3, s30;
	s28 =	sshll.u32 s11, $0x4;
	s8 =	sand.u32 $0x1FFFFFF0, s8  }
0x80: {  	s4 =	spop (v2sf);
	s0 =	sadd.s32 s3, s2;
	s5 =	sand.u32 $0x1FFFFFF0, s28  }
0x81: {  	s8 =	sadd.s32 s3, s8;
	s28 =	sadd.s32 $0xD0, s31;
	s4 =	sshll.u32 s4, $0x4  }
0x82: {  	s5 =	sadd.s32 s3, s5;
	s6 =	spop (v2sf);
	s4 =	sand.u32 $0x1FFFFFF0, s4  }
0x83: {  	[hbm:s31], [sflag:s9] =	dma.local [hbm:s5], $0x10  }
0x84: {  	s31 =	sadd.s32 $0x80, s31;
	s6 =	sshll.u32 s6, $0x4;
	s5 =	spop (v2sf)  }
0x85: {  	[hbm:s16], [sflag:s9] =	dma.local [hbm:s8], $0x10  }
0x86: {  	s4 =	sadd.s32 s3, s4;
	s6 =	sand.u32 $0x1FFFFFF0, s6;
	s13 =	sshll.u32 s5, $0x4  }
0x87: {  	s6 =	sadd.s32 s3, s6;
	s16 =	spop (v2sf);
	s2 =	sand.u32 $0x1FFFFFF0, s13  }
0x88: {  	s5 =	sshll.u32 s16, $0x4;
	s2 =	sadd.s32 s3, s2;
	s8 =	spop (v2sf)  }
0x89: {  	s5 =	sand.u32 $0x1FFFFFF0, s5;
	s7 =	spop (v2sf);
	s8 =	sshll.u32 s8, $0x4  }
0x8a: {  	s5 =	sadd.s32 s3, s5;
	s11 =	spop (v2sf);
	s7 =	sshll.u32 s7, $0x4  }
0x8b: {  	s8 =	sand.u32 $0x1FFFFFF0, s8;
	s11 =	sshll.u32 s11, $0x4;
	s7 =	sand.u32 $0x1FFFFFF0, s7  }
0x8c: {  	s11 =	sand.u32 $0x1FFFFFF0, s11;
	s10 =	spop (v2sf);
	s7 =	sadd.s32 s3, s7  }
0x8d: {  	s11 =	sadd.s32 s3, s11;
	s13 =	spop (v2sf);
	s10 =	sshll.u32 s10, $0x4  }
0x8e: {  	s13 =	sshll.u32 s13, $0x4;
	s16 =	spop (v2sf);
	s10 =	sand.u32 $0x1FFFFFF0, s10  }
0x8f: {  	s13 =	sand.u32 $0x1FFFFFF0, s13;
	s16 =	sshll.u32 s16, $0x4;
	s10 =	sadd.s32 s3, s10  }
0x90: {  	[hbm:s19], [sflag:s9] =	dma.local [hbm:s0], $0x10  }
0x91: {  	[hbm:s22], [sflag:s9] =	dma.local [hbm:s4], $0x10  }
0x92: {  	[hbm:s20], [sflag:s9] =	dma.local [hbm:s5], $0x10  }
0x93: {  	[hbm:s18], [sflag:s9] =	dma.local [hbm:s1], $0x10  }
0x94: {  	[hbm:s25], [sflag:s9] =	dma.local [hbm:s11], $0x10  }
0x95: {  	[hbm:s21], [sflag:s9] =	dma.local [hbm:s10], $0x10  }
0x96: {  	[hbm:s31], [sflag:s9] =	dma.local [hbm:s2], $0x10  }
0x97: {  	[hbm:s24], [sflag:s9] =	dma.local [hbm:s7], $0x10  }
0x98: {  	[hbm:s23], [sflag:s9] =	dma.local [hbm:s29], $0x10  }
0x99: {  	[hbm:s15], [sflag:s9] =	dma.local [hbm:s6], $0x10  }
0x9a: {  	s13 =	sadd.s32 s3, s13;
	s16 =	sand.u32 $0x1FFFFFF0, s16;
	s29 =	rddreg [dreg:$0x5]  }
0x9b: {  	[hbm:s29], [sflag:s9] =	dma.local [hbm:s30], $0x10  }
0x9c: {  	[hbm:s28], [sflag:s9] =	dma.local [hbm:s13], $0x10  }
0x9d: {  	s8 =	sadd.s32 s3, s8;
	s16 =	sadd.s32 s3, s16;
	s31 =	rddreg [dreg:$0x6]  }
0x9e: {  	[hbm:s31], [sflag:s9] =	dma.local [hbm:s16], $0x10  }
0x9f: {  	[hbm:s26], [sflag:s9] =	dma.local [hbm:s8], $0x10  }
0xa0: {  	v0 =	vld [tilespmem:s12+$0x0];
	_ =	sdelay $0x4  }
0xa1: {  	v54 =	vsel vm5, $0xFFFFFFFF, v0  }
0xa2: {  	v1 =	vsel vm3, $0xFFFFFFFF, v0;
	v8 =	vsel vm10, $0xFFFFFFFF, v0;
	v5 =	vxor.u32 $0x80000000, v54  }
0xa3: {  	v2 =	vsel vm8, $0xFFFFFFFF, v0;
	v6 =	vsel vm12, $0xFFFFFFFF, v0;
	v8 =	vxor.u32 $0x80000000, v8;
	(xrf0) =	vmax.scan.msk.u32 $0xffff, v5  }
0xa4: {  	v3 =	vsel vm9, $0xFFFFFFFF, v0;
	v55 =	vnsel vm0, $0xFFFFFFFF, v0;
	v6 =	vxor.u32 $0x80000000, v6;
	(xrf0) =	vmax.scan.msk.u32 $0xffff, v8  }
0xa5: {  	v56 =	vsel vm2, $0xFFFFFFFF, v0;
	v11 =	vxor.u32 $0x80000000, v2;
	v2 =	vxor.u32 $0x80000000, v55;
	(xrf0) =	vmax.scan.msk.u32 $0xffff, v6  }
0xa6: {  	v53 =	vsel vm4, $0xFFFFFFFF, v0;
	v57 =	vsel vm1, $0xFFFFFFFF, v0;
	v5 =	vxor.u32 $0x80000000, v56;
	(xrf0) =	vmax.scan.msk.u32 $0xffff, v2  }
0xa7: {  	v7 =	vsel vm7, $0xFFFFFFFF, v0;
	v9 =	vsel vm11, $0xFFFFFFFF, v0;
	v2 =	vxor.u32 $0x80000000, v57;
	(xrf0) =	vmax.scan.msk.u32 $0xffff, v5  }
0xa8: {  	v10 =	vsel vm6, $0xFFFFFFFF, v0;
	v59 =	vsel vm13, $0xFFFFFFFF, v0;
	v1 =	vxor.u32 $0x80000000, v1;
	(xrf0) =	vmax.scan.msk.u32 $0xffff, v2  }
0xa9: {  	v61 =	vsel vm14, $0xFFFFFFFF, v0;
	v62 =	vsel vm15, $0xFFFFFFFF, v0;
	v4 =	vxor.u32 $0x80000000, v53;
	(xrf0) =	vmax.scan.msk.u32 $0xffff, v1;
	v0, _, _ =	vpop (xrf0)  }
0xaa: {  	v7 =	vxor.u32 $0x80000000, v7;
	(xrf0) =	vmax.scan.msk.u32 $0xffff, v4;
	(v2sf) =	vpush v0, $0xF;
	v0, _, _ =	vpop (xrf0)  }
0xab: {  	v58 =	vxor.u32 $0x80000000, v9;
	(xrf0) =	vmax.scan.msk.u32 $0xffff, v7;
	(v2sf) =	vpush v0, $0xF;
	v0, _, _ =	vpop (xrf0)  }
0xac: {  	p0 =	sne.s32 s14, $0x1F00;
	v10 =	vxor.u32 $0x80000000, v10;
	v1, _, _ =	vpop (xrf0);
	(xrf0) =	vmax.scan.msk.u32 $0xffff, v58  }
.Ltmp0:
0xad: {  	(v2sf) =	vpush v0, $0xF;
	v0, _, _ =	vpop (xrf0);
	(xrf0) =	vmax.scan.msk.u32 $0xffff, v10;
	(pc) =	sbr.rel @p0 .LBB2_2-.Ltmp0, $4  }
0xae: {  	v3 =	vxor.u32 $0x80000000, v3;
	v63, _, _ =	vpop (xrf0);
	(v2sf) =	vpush v0, $0xF;
	(xrf0) =	vmax.scan.msk.u32 $0xffff, v11  }
0xaf: {  	v60 =	vxor.u32 $0x80000000, v59;
	(v2sf) =	vpush v63, $0xF;
	v0, _, _ =	vpop (xrf0);
	(xrf0) =	vmax.scan.msk.u32 $0xffff, v3  }
0xb0: {  	v6 =	vxor.u32 $0x80000000, v61;
	(v2sf) =	vpush v1, $0xF;
	v1, _, _ =	vpop (xrf0);
	(xrf0) =	vmax.scan.msk.u32 $0xffff, v60  }
0xb1: {  	s14 =	sadd.s32 $0x100, s14;
	s15 =	rddreg [dreg:$0x4];
	v2 =	vxor.u32 $0x80000000, v62;
	(v2sf) =	vpush v0, $0xF;
	v0, _, _ =	vpop (xrf0);
	(xrf0) =	vmax.scan.msk.u32 $0xffff, v6  }
0xb2: {  	v3, _, _ =	vpop (xrf0);
	(xrf0) =	vmax.scan.msk.u32 $0xffff, v2  }
0xb3: {  	v60, _, _ =	vpop (xrf0)  }
0xb4: {  	(v2sf) =	vpush v3, $0xF;
	v61, _, _ =	vpop (xrf0)  }
0xb5: {  	v4, _, _ =	vpop (xrf0)  }
0xb6: {  	(v2sf) =	vpush v61, $0xF;
	v62, _, _ =	vpop (xrf0)  }
0xb7: {  	v5, _, _ =	vpop (xrf0)  }
0xb8: {  	(v2sf) =	vpush v1, $0xF;
	v63, _, _ =	vpop (xrf0)  }
0xb9: {  	(v2sf) =	vpush v63, $0xF  }
0xba: {  	(v2sf) =	vpush v4, $0xF  }
0xbb: {  	s1 =	spop (v2sf);
	(v2sf) =	vpush v60, $0xF  }
0xbc: {  	s0 =	spop (v2sf);
	(v2sf) =	vpush v0, $0xF  }
0xbd: {  	s14 =	spop (v2sf);
	(v2sf) =	vpush v62, $0xF  }
0xbe: {  	s2 =	spop (v2sf);
	(v2sf) =	vpush v5, $0xF  }
0xbf: {  	s4 =	spop (v2sf)  }
0xc0: {  	s5 =	spop (v2sf)  }
0xc1: {  	s12 =	sadd.s32 s17, s15;
	s5 =	sshll.u32 s5, $0x4  }
0xc2: {  	s4 =	sshll.u32 s4, $0x4;
	s6 =	spop (v2sf);
	s5 =	sand.u32 $0x1FFFFFF0, s5  }
0xc3: {  	s4 =	sand.u32 $0x1FFFFFF0, s4;
	s5 =	sadd.s32 s3, s5;
	s7 =	spop (v2sf)  }
0xc4: {  	[hbm:s12], [sflag:s9] =	dma.local [hbm:s5], $0x10  }
0xc5: {  	s24 =	sadd.s32 $0x10, s12;
	s4 =	sadd.s32 s3, s4;
	s8 =	spop (v2sf)  }
0xc6: {  	[hbm:s24], [sflag:s9] =	dma.local [hbm:s4], $0x10  }
0xc7: {  	s4 =	spop (v2sf)  }
0xc8: {  	s13 =	spop (v2sf)  }
0xc9: {  	s5 =	spop (v2sf)  }
0xca: {  	s10 =	spop (v2sf)  }
0xcb: {  	s2 =	sshll.u32 s2, $0x4;
	s11 =	spop (v2sf)  }
0xcc: {  	s16 =	sadd.s32 $0x20, s12;
	s2 =	sand.u32 $0x1FFFFFF0, s2;
	s25 =	spop (v2sf)  }
0xcd: {  	s2 =	sadd.s32 s3, s2;
	s26 =	sshll.u32 s6, $0x4;
	s17 =	spop (v2sf)  }
0xce: {  	[hbm:s16], [sflag:s9] =	dma.local [hbm:s2], $0x10  }
0xcf: {  	s2 =	sand.u32 $0x1FFFFFF0, s26  }
0xd0: {  	s28 =	sadd.s32 $0x30, s12;
	s29 =	sshll.u32 s4, $0x4;
	s2 =	sadd.s32 s3, s2  }
0xd1: {  	[hbm:s28], [sflag:s9] =	dma.local [hbm:s2], $0x10  }
0xd2: {  	s1 =	sshll.u32 s1, $0x4;
	s2 =	sand.u32 $0x1FFFFFF0, s29  }
0xd3: {  	s30 =	sadd.s32 $0x40, s12;
	s1 =	sand.u32 $0x1FFFFFF0, s1;
	s2 =	sadd.s32 s3, s2  }
0xd4: {  	[hbm:s30], [sflag:s9] =	dma.local [hbm:s2], $0x10  }
0xd5: {  	s31 =	sadd.s32 $0x50, s12;
	s1 =	sadd.s32 s3, s1;
	s2 =	sshll.u32 s10, $0x4  }
0xd6: {  	[hbm:s31], [sflag:s9] =	dma.local [hbm:s1], $0x10  }
0xd7: {  	s1 =	sand.u32 $0x1FFFFFF0, s2  }
0xd8: {  	s4 =	sadd.s32 $0x60, s12;
	s6 =	sshll.u32 s11, $0x4;
	s1 =	sadd.s32 s3, s1  }
0xd9: {  	[hbm:s4], [sflag:s9] =	dma.local [hbm:s1], $0x10  }
0xda: {  	s1 =	sand.u32 $0x1FFFFFF0, s6  }
0xdb: {  	s11 =	sshll.u32 s8, $0x4;
	s10 =	sadd.s32 $0x70, s12;
	s1 =	sadd.s32 s3, s1  }
0xdc: {  	[hbm:s10], [sflag:s9] =	dma.local [hbm:s1], $0x10  }
0xdd: {  	s19 =	sadd.s32 $0x90, s12;
	s0 =	sshll.u32 s0, $0x4;
	s1 =	sand.u32 $0x1FFFFFF0, s11  }
0xde: {  	s18 =	sshll.u32 s5, $0x4;
	s16 =	sadd.s32 $0x80, s12;
	s1 =	sadd.s32 s3, s1  }
0xdf: {  	[hbm:s16], [sflag:s9] =	dma.local [hbm:s1], $0x10  }
0xe0: {  	s20 =	sadd.s32 $0xA0, s12;
	s0 =	sand.u32 $0x1FFFFFF0, s0;
	s1 =	sand.u32 $0x1FFFFFF0, s18  }
0xe1: {  	s0 =	sadd.s32 s3, s0;
	s21 =	sshll.u32 s7, $0x4;
	s1 =	sadd.s32 s3, s1  }
0xe2: {  	[hbm:s19], [sflag:s9] =	dma.local [hbm:s1], $0x10  }
0xe3: {  	[hbm:s20], [sflag:s9] =	dma.local [hbm:s0], $0x10  }
0xe4: {  	s0 =	sand.u32 $0x1FFFFFF0, s21  }
0xe5: {  	s22 =	sadd.s32 $0xB0, s12;
	s23 =	sshll.u32 s14, $0x4;
	s0 =	sadd.s32 s3, s0  }
0xe6: {  	[hbm:s22], [sflag:s9] =	dma.local [hbm:s0], $0x10  }
0xe7: {  	s0 =	sand.u32 $0x1FFFFFF0, s23  }
0xe8: {  	s24 =	sadd.s32 $0xC0, s12;
	s25 =	sshll.u32 s25, $0x4;
	s0 =	sadd.s32 s3, s0  }
0xe9: {  	[hbm:s24], [sflag:s9] =	dma.local [hbm:s0], $0x10  }
0xea: {  	s0 =	sand.u32 $0x1FFFFFF0, s25  }
0xeb: {  	s26 =	sadd.s32 $0xD0, s12;
	s28 =	sshll.u32 s17, $0x4;
	s0 =	sadd.s32 s3, s0  }
0xec: {  	[hbm:s26], [sflag:s9] =	dma.local [hbm:s0], $0x10  }
0xed: {  	s0 =	sand.u32 $0x1FFFFFF0, s28  }
0xee: {  	s29 =	sadd.s32 $0xE0, s12;
	s30 =	sshll.u32 s13, $0x4;
	s0 =	sadd.s32 s3, s0  }
0xef: {  	[hbm:s29], [sflag:s9] =	dma.local [hbm:s0], $0x10  }
0xf0: {  	s0 =	sand.u32 $0x1FFFFFF0, s30  }
0xf1: {  	s31 =	sadd.s32 $0xF0, s12;
	s1 =	simm.s32 $0x1;
	s0 =	sadd.s32 s3, s0  }
0xf2: {  	[hbm:s31], [sflag:s9] =	dma.local [hbm:s0], $0x10  }
0xf3: {  	_ =	swait.ge [sflag:s1], $0x10  }
0xf4: {  	s0 =	simm.s32 $0x1FF;
	[sflag:s1] =	ssyncset.done $0x0  }
.LBB2_4:
0xf5: {  	p0 =	sne.s32 s0, $0x1;
	s0 =	sadd.s32 $0xFFFFFFFF, s0;
	[sflag:s1] =	ssyncadd.s32 $0xFFFFFFF0  }
.Ltmp1:
0xf6: {  	(pc) =	sbr.rel @p0 .LBB2_4-.Ltmp1, $3  }
0xf7: {  	_ =	sdelay $0x1  }
0xf8: {  	_ =	swait.ge [sflag:s1], $0x10  }
0xf9: {  	[sflag:s1] =	ssyncset.done $0x0  }
0xfa: {  	s2 =	rddreg [dreg:$0xa]  }
0xfb: {  	s0 =	rddreg [dreg:$0x9];
	s2 =	sadd.s32 $0x1, s2  }
0xfc: {  	p0 =	sne.s32 s2, s0  }
.Ltmp2:
0xfd: {  	_ = 	snop;
	(pc) =	sbr.rel @p0 .LBB2_1-.Ltmp2, $2  }
0xfe: {  	_ =	sdelay $0x2  }
0xff: {  	[sflag:s1] =	ssyncadd.s32 $0xFFFFFFF0  }
0x100: {  	_ =	sfence.sel $0x180000  }
0x101: {  	[bflag:$0x0] =	sbarrier.arrive $0xFFFF  }
0x102: {  	_ =	strace $0x90000047  }
0x103: {  	s0 =	stileid.u32;
	[bflag:$0x2] =	sbarrier.arrive $0xFFFF  }
0x104: {  	p0 =	sne.s32 s0, $0x0;
	s0 =	rddreg [dreg:$0x3]  }
0x105: {  	s0 =	sadd.s32 @!p0 $0x100000, s0  }
0x106: {  	[sflag:s0] =	ssyncadd.tile.s32 @!p0 $0x1;
	_ =	shalt  }
.Lfunc_end2:
_tile_overlayer_lowered:
.L_overlay_start_2:
0x107: {  	(tag) =	ssettag $0x2  }
0x108: {  	s0 =	rddreg [dreg:$0x0];
	s2 =	stileid.u32  }
0x109: {  	s1 =	rddreg [dreg:$0x1];
	p0 =	sne.s32 s2, $0x0  }
0x10a: {  	s3 =	rddreg [dreg:$0x2];
	[bflag:$0x3] =	sbarrier.arrive $0xFFFF;
	s2 =	simm.s32 @!p0 $0x1C02  }
0x10b: {  	[timem:s3], [sflag:s2] =	dma.local @!p0 [hbm:s0], s1  }
0x10c: {  	s0 =	simm.s32 @!p0 $0x2  }
0x10d: {  	_ =	swait.ge @!p0 [sflag:s0], s1  }
0x10e: {  	s1 =	ssub.s32 @!p0 $0x0, s1;
	[sflag:s0] =	ssyncset.done @!p0 $0x0  }
0x10f: {  	[sflag:s0] =	ssyncadd.s32 @!p0 s1  }
0x110: {  	[bflag:$0x3] =	sbarrier.arrive $0xFFFF  }
0x111: {  	_ =	shalt  }

</sc_bundles>
